<compile_context>
chip_gen: v7x
topology: tpu7x:2x2x1
jax: 0.10.2.dev20260603
libtpu: 0.0.44.dev20260713+nightly
codegen_flags: <defaults>
</compile_context>

<pallas_src>
import functools

import jax
import jax.numpy as jnp
from jax import lax
from jax.experimental import pallas as pl
from jax.experimental.pallas import tpu as pltpu
from jax.experimental.pallas import tpu_sc as plsc

_VOCAB = 5000
_D = 16
_BATCH = 16384
_HIST = 200
_NW = 32
_IW = _BATCH // _NW
_ICL = _IW // 128
_NG = _IW // 16
_NS = _HIST // 8
_TP = _D + 1


def _sc_gather_body(table_hbm, idx_hbm, out_hbm, table_v, idx_v, rows_v,
                    osem, isem):
    wid = lax.axis_index("s") * 2 + lax.axis_index("c")
    ic0 = wid * _ICL

    cols = [jnp.full((16,), d, jnp.int32) for d in range(_D)]

    def out_copy(j, b):
        return pltpu.make_async_copy(
            rows_v.at[b],
            out_hbm.at[j, :, pl.ds(ic0, _ICL)], osem)

    def idx_copy(s, p):
        return pltpu.make_async_copy(
            idx_hbm.at[s, pl.ds(ic0, _ICL)], idx_v.at[p], isem)

    idx_copy(0, 0).start()
    idx_copy(1, 1).start()
    pltpu.sync_copy(table_hbm, table_v)

    @pl.loop(0, _NS)
    def stage(s):
        p = s % 2
        idx_copy(s, p).wait()

        @pl.loop(0, 8, step=2)
        def jpair(g):
            for b in range(2):
                jl = g + b
                j = s * 8 + jl

                @pl.when(j >= 2)
                def _():
                    out_copy(j - 2, b).wait()

                @plsc.parallel_loop(0, _NG, unroll=2)
                def grp_loop(grp):
                    ids = idx_v[p, grp // 8, jl, pl.ds((grp % 8) * 16, 16)]
                    addrs = ids * _TP
                    icl = grp // 8
                    l0 = (grp % 8) * 16
                    for d in range(_D):
                        vals = plsc.load_gather(table_v, [addrs + cols[d]])
                        rows_v[b, d // 8, icl, d % 8, pl.ds(l0, 16)] = vals

                out_copy(j, b).start()

        @pl.when(s + 2 < _NS)
        def _():
            idx_copy(s + 2, p).start()

    out_copy(_HIST - 2, 0).wait()
    out_copy(_HIST - 1, 1).wait()


@functools.cache
def _sc_gather():
    return pl.kernel(
        _sc_gather_body,
        out_type=jax.ShapeDtypeStruct((_HIST, 2, _BATCH // 128, 8, 128),
                                      jnp.float32),
        mesh=plsc.VectorSubcoreMesh(core_axis_name="c", subcore_axis_name="s"),
        scratch_types=[
            pltpu.VMEM((_VOCAB * _TP,), jnp.float32),
            pltpu.VMEM((2, _ICL, 8, 128), jnp.int32),
            pltpu.VMEM((2, 2, _ICL, 8, 128), jnp.float32),
            pltpu.SemaphoreType.DMA,
            pltpu.SemaphoreType.DMA,
        ],
        compiler_params=pltpu.CompilerParams(use_tc_tiling_on_sc=False,
                                             needs_layout_passes=False),
    )


def kernel(batch_data, table):
    idx4 = (batch_data.astype(jnp.int32).T
            .reshape(_HIST // 8, 8, _BATCH // 128, 128)
            .transpose(0, 2, 1, 3))
    table_p = jnp.pad(table, ((0, 0), (0, 1))).reshape(-1)
    out5 = _sc_gather()(table_p, idx4)
    return out5.transpose(2, 4, 0, 1, 3).reshape(_BATCH, _HIST, _D)

# --- scband reference (transcript-rebuilt; emitter-appended) ---
"""Pipeline reference for scband-text-idmapper-7902739824777 (READ-ONLY COPY).

The authoritative reference and input builder live on the scoring server;
editing this copy changes nothing except your own understanding.
"""

import jax, jax.numpy as jnp
import numpy as np

VOCAB = 5000
EMBED_DIM = 16
BATCH = 16384
HIST = 200

def setup_inputs(seed: int = 0) -> dict:
    key = jax.random.key(seed)
    k1, k2 = jax.random.split(key)
    batch_data = jax.random.randint(k1, (BATCH, HIST), 0, VOCAB, dtype=jnp.int64)
    # Learned/derived lookup table standing in for the StringLookup vocabulary rows.
    table = jax.random.normal(k2, (VOCAB, EMBED_DIM), dtype=jnp.float32)
    return {"batch_data": batch_data, "table": table}

def reference(batch_data, table):
    # TextIDMapper.call on integer inputs dispatches to the inverted StringLookup:
    # ids -> vocabulary rows. Numerically this is a row gather over the vocab table.
    out = jnp.take(table, batch_data, axis=0)
    return out

if __name__ == "__main__":
    import jax
    _d = setup_inputs()
    print(jax.jit(kernel)(*tuple(_d.values())))

</pallas_src>

<mosaic_0001>
#map = affine_map<(d0, d1) -> (0)>
#map1 = affine_map<(d0, d1) -> (0, 0, 0, 0)>
#map2 = affine_map<(d0, d1) -> (0, 0, 0, 0, 0)>
module attributes {stable_mosaic.version = 14 : i64} {
  func.func @_sc_gather_body(%arg0: i32, %arg1: i32, %arg2: memref<85000xf32, #tpu.memory_space<hbm>>, %arg3: memref<25x128x8x128xi32, #tpu.memory_space<hbm>>, %arg4: memref<200x2x128x8x128xf32, #tpu.memory_space<hbm>>, %arg5: memref<85000xf32, #tpu.memory_space<vmem>>, %arg6: memref<2x4x8x128xi32, #tpu.memory_space<vmem>>, %arg7: memref<2x2x4x8x128xf32, #tpu.memory_space<vmem>>, %arg8: memref<!tpu.dma_semaphore, #tpu.memory_space<semaphore_mem>>, %arg9: memref<!tpu.dma_semaphore, #tpu.memory_space<semaphore_mem>>) attributes {dimension_semantics = [#tpu.dimension_semantics<core_parallel>, #tpu.dimension_semantics<subcore_parallel>], iteration_bounds = array<i64: 2, 16>, scalar_prefetch = 0 : i64, scratch_operands = 5 : i64, tpu.core_type = #tpu.core_type<sc_vector_subcore>, window_params = [{transform_indices = #map}, {transform_indices = #map1}, {transform_indices = #map2}]} {
    %mul3A = arith.constant 2 : i32
    %mul3A_0 = arith.muli %arg1, %mul3A : i32
    %add3A = arith.addi %mul3A_0, %arg0 : i32
    %mul3A_1 = arith.constant 4 : i32
    %mul3A_2 = arith.muli %add3A, %mul3A_1 : i32
    %broadcast_in_dim3A = arith.constant 0 : i32
    %broadcast_in_dim3A_3 = vector.broadcast %broadcast_in_dim3A : i32 to vector<16xi32>
    %broadcast_in_dim3A_4 = arith.constant 1 : i32
    %broadcast_in_dim3A_5 = vector.broadcast %broadcast_in_dim3A_4 : i32 to vector<16xi32>
    %broadcast_in_dim3A_6 = arith.constant 2 : i32
    %broadcast_in_dim3A_7 = vector.broadcast %broadcast_in_dim3A_6 : i32 to vector<16xi32>
    %broadcast_in_dim3A_8 = arith.constant 3 : i32
    %broadcast_in_dim3A_9 = vector.broadcast %broadcast_in_dim3A_8 : i32 to vector<16xi32>
    %broadcast_in_dim3A_10 = arith.constant 4 : i32
    %broadcast_in_dim3A_11 = vector.broadcast %broadcast_in_dim3A_10 : i32 to vector<16xi32>
    %broadcast_in_dim3A_12 = arith.constant 5 : i32
    %broadcast_in_dim3A_13 = vector.broadcast %broadcast_in_dim3A_12 : i32 to vector<16xi32>
    %broadcast_in_dim3A_14 = arith.constant 6 : i32
    %broadcast_in_dim3A_15 = vector.broadcast %broadcast_in_dim3A_14 : i32 to vector<16xi32>
    %broadcast_in_dim3A_16 = arith.constant 7 : i32
    %broadcast_in_dim3A_17 = vector.broadcast %broadcast_in_dim3A_16 : i32 to vector<16xi32>
    %broadcast_in_dim3A_18 = arith.constant 8 : i32
    %broadcast_in_dim3A_19 = vector.broadcast %broadcast_in_dim3A_18 : i32 to vector<16xi32>
    %broadcast_in_dim3A_20 = arith.constant 9 : i32
    %broadcast_in_dim3A_21 = vector.broadcast %broadcast_in_dim3A_20 : i32 to vector<16xi32>
    %broadcast_in_dim3A_22 = arith.constant 10 : i32
    %broadcast_in_dim3A_23 = vector.broadcast %broadcast_in_dim3A_22 : i32 to vector<16xi32>
    %broadcast_in_dim3A_24 = arith.constant 11 : i32
    %broadcast_in_dim3A_25 = vector.broadcast %broadcast_in_dim3A_24 : i32 to vector<16xi32>
    %broadcast_in_dim3A_26 = arith.constant 12 : i32
    %broadcast_in_dim3A_27 = vector.broadcast %broadcast_in_dim3A_26 : i32 to vector<16xi32>
    %broadcast_in_dim3A_28 = arith.constant 13 : i32
    %broadcast_in_dim3A_29 = vector.broadcast %broadcast_in_dim3A_28 : i32 to vector<16xi32>
    %broadcast_in_dim3A_30 = arith.constant 14 : i32
    %broadcast_in_dim3A_31 = vector.broadcast %broadcast_in_dim3A_30 : i32 to vector<16xi32>
    %broadcast_in_dim3A_32 = arith.constant 15 : i32
    %broadcast_in_dim3A_33 = vector.broadcast %broadcast_in_dim3A_32 : i32 to vector<16xi32>
    %dma_start3A = arith.constant 0 : i32
    %dma_start3A_34 = arith.constant 0 : i32
    %dma_start3A_35 = arith.constant 0 : i32
    %dma_start3A_36 = arith.constant 0 : i32
    %dma_start3A_37 = arith.constant 0 : i32
    %dma_start3A_38 = tpu.memref_slice %arg6[%dma_start3A_34, %dma_start3A_35, %dma_start3A_36, %dma_start3A_37] : memref<2x4x8x128xi32, #tpu.memory_space<vmem>> -> memref<1x4x8x128xi32, #tpu.memory_space<vmem>>
    %dma_start3A_39 = tpu.memref_squeeze %dma_start3A_38 : memref<1x4x8x128xi32, #tpu.memory_space<vmem>> -> memref<4x8x128xi32, #tpu.memory_space<vmem>>
    %dma_start3A_40 = arith.constant 0 : i32
    %dma_start3A_41 = arith.constant 0 : i32
    %dma_start3A_42 = tpu.memref_slice %arg3[%dma_start3A, %mul3A_2, %dma_start3A_40, %dma_start3A_41] : memref<25x128x8x128xi32, #tpu.memory_space<hbm>> -> memref<1x4x8x128xi32, #tpu.memory_space<hbm>>
    %dma_start3A_43 = tpu.memref_squeeze %dma_start3A_42 : memref<1x4x8x128xi32, #tpu.memory_space<hbm>> -> memref<4x8x128xi32, #tpu.memory_space<hbm>>
    %dma_start3A_44 = arith.constant 0 : i32
    %dma_start3A_45 = arith.constant 0 : i32
    %dma_start3A_46 = arith.constant 0 : i32
    %dma_start3A_47 = tpu.memref_slice %arg6[%dma_start3A_34, %dma_start3A_44, %dma_start3A_45, %dma_start3A_46] : memref<2x4x8x128xi32, #tpu.memory_space<vmem>> -> memref<1x4x8x128xi32, #tpu.memory_space<vmem>>
    %dma_start3A_48 = tpu.memref_squeeze %dma_start3A_47 : memref<1x4x8x128xi32, #tpu.memory_space<vmem>> -> memref<4x8x128xi32, #tpu.memory_space<vmem>>
    %dma_start3A_49 = arith.constant 0 : i32
    %dma_start3A_50 = arith.constant 0 : i32
    %dma_start3A_51 = tpu.memref_slice %arg3[%dma_start3A, %mul3A_2, %dma_start3A_49, %dma_start3A_50] : memref<25x128x8x128xi32, #tpu.memory_space<hbm>> -> memref<1x4x8x128xi32, #tpu.memory_space<hbm>>
    %dma_start3A_52 = tpu.memref_squeeze %dma_start3A_51 : memref<1x4x8x128xi32, #tpu.memory_space<hbm>> -> memref<4x8x128xi32, #tpu.memory_space<hbm>>
    tpu.enqueue_dma source(%dma_start3A_52 : memref<4x8x128xi32, #tpu.memory_space<hbm>>) target(%dma_start3A_48 : memref<4x8x128xi32, #tpu.memory_space<vmem>>) target_semaphore(%arg9 : memref<!tpu.dma_semaphore, #tpu.memory_space<semaphore_mem>>)
    %dma_start3A_53 = arith.constant 1 : i32
    %dma_start3A_54 = arith.constant 1 : i32
    %dma_start3A_55 = arith.constant 0 : i32
    %dma_start3A_56 = arith.constant 0 : i32
    %dma_start3A_57 = arith.constant 0 : i32
    %dma_start3A_58 = tpu.memref_slice %arg6[%dma_start3A_54, %dma_start3A_55, %dma_start3A_56, %dma_start3A_57] : memref<2x4x8x128xi32, #tpu.memory_space<vmem>> -> memref<1x4x8x128xi32, #tpu.memory_space<vmem>>
    %dma_start3A_59 = tpu.memref_squeeze %dma_start3A_58 : memref<1x4x8x128xi32, #tpu.memory_space<vmem>> -> memref<4x8x128xi32, #tpu.memory_space<vmem>>
    %dma_start3A_60 = arith.constant 0 : i32
    %dma_start3A_61 = arith.constant 0 : i32
    %dma_start3A_62 = tpu.memref_slice %arg3[%dma_start3A_53, %mul3A_2, %dma_start3A_60, %dma_start3A_61] : memref<25x128x8x128xi32, #tpu.memory_space<hbm>> -> memref<1x4x8x128xi32, #tpu.memory_space<hbm>>
    %dma_start3A_63 = tpu.memref_squeeze %dma_start3A_62 : memref<1x4x8x128xi32, #tpu.memory_space<hbm>> -> memref<4x8x128xi32, #tpu.memory_space<hbm>>
    %dma_start3A_64 = arith.constant 0 : i32
    %dma_start3A_65 = arith.constant 0 : i32
    %dma_start3A_66 = arith.constant 0 : i32
    %dma_start3A_67 = tpu.memref_slice %arg6[%dma_start3A_54, %dma_start3A_64, %dma_start3A_65, %dma_start3A_66] : memref<2x4x8x128xi32, #tpu.memory_space<vmem>> -> memref<1x4x8x128xi32, #tpu.memory_space<vmem>>
    %dma_start3A_68 = tpu.memref_squeeze %dma_start3A_67 : memref<1x4x8x128xi32, #tpu.memory_space<vmem>> -> memref<4x8x128xi32, #tpu.memory_space<vmem>>
    %dma_start3A_69 = arith.constant 0 : i32
    %dma_start3A_70 = arith.constant 0 : i32
    %dma_start3A_71 = tpu.memref_slice %arg3[%dma_start3A_53, %mul3A_2, %dma_start3A_69, %dma_start3A_70] : memref<25x128x8x128xi32, #tpu.memory_space<hbm>> -> memref<1x4x8x128xi32, #tpu.memory_space<hbm>>
    %dma_start3A_72 = tpu.memref_squeeze %dma_start3A_71 : memref<1x4x8x128xi32, #tpu.memory_space<hbm>> -> memref<4x8x128xi32, #tpu.memory_space<hbm>>
    tpu.enqueue_dma source(%dma_start3A_72 : memref<4x8x128xi32, #tpu.memory_space<hbm>>) target(%dma_start3A_68 : memref<4x8x128xi32, #tpu.memory_space<vmem>>) target_semaphore(%arg9 : memref<!tpu.dma_semaphore, #tpu.memory_space<semaphore_mem>>)
    "tpu.region"() ({
      %run_scoped3A = tpu.sem_alloc : memref<!tpu.dma_semaphore, #tpu.memory_space<semaphore_mem>>
      tpu.enqueue_dma source(%arg2 : memref<85000xf32, #tpu.memory_space<hbm>>) target(%arg5 : memref<85000xf32, #tpu.memory_space<vmem>>) target_semaphore(%run_scoped3A : memref<!tpu.dma_semaphore, #tpu.memory_space<semaphore_mem>>)
      tpu.wait_dma2 semaphore(%run_scoped3A : memref<!tpu.dma_semaphore, #tpu.memory_space<semaphore_mem>>) src(%arg2 : memref<85000xf32, #tpu.memory_space<hbm>>) dst(%arg5 : memref<85000xf32, #tpu.memory_space<vmem>>)
      tpu.yield
    }) : () -> ()
    %scan3A = arith.constant 0 : i32
    %scan3A_73 = arith.constant 25 : i32
    %scan3A_74 = arith.addi %scan3A, %scan3A_73 : i32
    %scan3A_75 = arith.constant 1 : i32
    scf.for %scan3A_124 = %scan3A to %scan3A_74 step %scan3A_75  : i32 {
      %mul3A_125 = arith.constant 1 : i32
      %mul3A_126 = arith.muli %scan3A_124, %mul3A_125 : i32
      %add3A_127 = arith.constant 0 : i32
      %add3A_128 = arith.addi %add3A_127, %mul3A_126 : i32
      %jit3A = arith.constant 2 : i32
      %eq3A = arith.constant 0 : i32
      %eq3A_129 = arith.cmpi eq, %jit3A, %eq3A : i32
      %jit3A_130 = arith.constant 1 : i32
      %select_n3A = arith.select %eq3A_129, %jit3A_130, %jit3A : i32
      %rem3A = arith.remsi %add3A_128, %select_n3A : i32
      %ne3A = arith.constant 0 : i32
      %ne3A_131 = arith.cmpi ne, %rem3A, %ne3A : i32
      %lt3A = arith.constant 0 : i32
      %lt3A_132 = arith.cmpi slt, %rem3A, %lt3A : i32
      %lt3A_133 = arith.constant 0 : i32
      %lt3A_134 = arith.cmpi slt, %select_n3A, %lt3A_133 : i32
      %ne3A_135 = arith.xori %lt3A_132, %lt3A_134 : i1
      %and3A = arith.andi %ne3A_135, %ne3A_131 : i1
      %add3A_136 = arith.addi %rem3A, %select_n3A : i32
      %select_n3A_137 = arith.select %and3A, %add3A_136, %rem3A : i32
      %dma_wait3A_138 = arith.constant 0 : i32
      %dma_wait3A_139 = arith.constant 0 : i32
      %dma_wait3A_140 = arith.constant 0 : i32
      %dma_wait3A_141 = tpu.memref_slice %arg6[%select_n3A_137, %dma_wait3A_138, %dma_wait3A_139, %dma_wait3A_140] : memref<2x4x8x128xi32, #tpu.memory_space<vmem>> -> memref<1x4x8x128xi32, #tpu.memory_space<vmem>>
      %dma_wait3A_142 = tpu.memref_squeeze %dma_wait3A_141 : memref<1x4x8x128xi32, #tpu.memory_space<vmem>> -> memref<4x8x128xi32, #tpu.memory_space<vmem>>
      %dma_wait3A_143 = arith.constant 0 : i32
      %dma_wait3A_144 = arith.constant 0 : i32
      %dma_wait3A_145 = tpu.memref_slice %arg3[%add3A_128, %mul3A_2, %dma_wait3A_143, %dma_wait3A_144] : memref<25x128x8x128xi32, #tpu.memory_space<hbm>> -> memref<1x4x8x128xi32, #tpu.memory_space<hbm>>
      %dma_wait3A_146 = tpu.memref_squeeze %dma_wait3A_145 : memref<1x4x8x128xi32, #tpu.memory_space<hbm>> -> memref<4x8x128xi32, #tpu.memory_space<hbm>>
      %dma_wait3A_147 = arith.constant 0 : i32
      %dma_wait3A_148 = arith.constant 0 : i32
      %dma_wait3A_149 = arith.constant 0 : i32
      %dma_wait3A_150 = tpu.memref_slice %arg6[%select_n3A_137, %dma_wait3A_147, %dma_wait3A_148, %dma_wait3A_149] : memref<2x4x8x128xi32, #tpu.memory_space<vmem>> -> memref<1x4x8x128xi32, #tpu.memory_space<vmem>>
      %dma_wait3A_151 = tpu.memref_squeeze %dma_wait3A_150 : memref<1x4x8x128xi32, #tpu.memory_space<vmem>> -> memref<4x8x128xi32, #tpu.memory_space<vmem>>
      %dma_wait3A_152 = arith.constant 0 : i32
      %dma_wait3A_153 = arith.constant 0 : i32
      %dma_wait3A_154 = tpu.memref_slice %arg3[%add3A_128, %mul3A_2, %dma_wait3A_152, %dma_wait3A_153] : memref<25x128x8x128xi32, #tpu.memory_space<hbm>> -> memref<1x4x8x128xi32, #tpu.memory_space<hbm>>
      %dma_wait3A_155 = tpu.memref_squeeze %dma_wait3A_154 : memref<1x4x8x128xi32, #tpu.memory_space<hbm>> -> memref<4x8x128xi32, #tpu.memory_space<hbm>>
      tpu.wait_dma2 semaphore(%arg9 : memref<!tpu.dma_semaphore, #tpu.memory_space<semaphore_mem>>) src(%dma_wait3A_155 : memref<4x8x128xi32, #tpu.memory_space<hbm>>) dst(%dma_wait3A_151 : memref<4x8x128xi32, #tpu.memory_space<vmem>>)
      %scan3A_156 = arith.constant 0 : i32
      %scan3A_157 = arith.constant 4 : i32
      %scan3A_158 = arith.addi %scan3A_156, %scan3A_157 : i32
      %scan3A_159 = arith.constant 1 : i32
      scf.for %scan3A_166 = %scan3A_156 to %scan3A_158 step %scan3A_159  : i32 {
        %mul3A_167 = arith.constant 2 : i32
        %mul3A_168 = arith.muli %scan3A_166, %mul3A_167 : i32
        %add3A_169 = arith.constant 0 : i32
        %add3A_170 = arith.addi %add3A_169, %mul3A_168 : i32
        %add3A_171 = arith.constant 0 : i32
        %add3A_172 = arith.addi %add3A_170, %add3A_171 : i32
        %mul3A_173 = arith.constant 8 : i32
        %mul3A_174 = arith.muli %add3A_128, %mul3A_173 : i32
        %add3A_175 = arith.addi %mul3A_174, %add3A_172 : i32
        %ge3A = arith.constant 2 : i32
        %ge3A_176 = arith.cmpi sge, %add3A_175, %ge3A : i32
        %convert_element_type3A_177 = arith.extui %ge3A_176 : i1 to i32
        %cond3A_178 = arith.constant 0 : i32
        %cond3A_179 = arith.cmpi ne, %convert_element_type3A_177, %cond3A_178 : i32
        scf.if %cond3A_179 {
          %sub3A = arith.constant 2 : i32
          %sub3A_241 = arith.subi %add3A_175, %sub3A : i32
          %dma_wait3A_242 = arith.constant 0 : i32
          %dma_wait3A_243 = arith.constant 0 : i32
          %dma_wait3A_244 = arith.constant 0 : i32
          %dma_wait3A_245 = arith.constant 0 : i32
          %dma_wait3A_246 = arith.constant 0 : i32
          %dma_wait3A_247 = tpu.memref_slice %arg7[%dma_wait3A_242, %dma_wait3A_243, %dma_wait3A_244, %dma_wait3A_245, %dma_wait3A_246] : memref<2x2x4x8x128xf32, #tpu.memory_space<vmem>> -> memref<1x2x4x8x128xf32, #tpu.memory_space<vmem>>
          %dma_wait3A_248 = tpu.memref_squeeze %dma_wait3A_247 : memref<1x2x4x8x128xf32, #tpu.memory_space<vmem>> -> memref<2x4x8x128xf32, #tpu.memory_space<vmem>>
          %dma_wait3A_249 = arith.constant 0 : i32
          %dma_wait3A_250 = arith.constant 0 : i32
          %dma_wait3A_251 = arith.constant 0 : i32
          %dma_wait3A_252 = tpu.memref_slice %arg4[%sub3A_241, %dma_wait3A_249, %mul3A_2, %dma_wait3A_250, %dma_wait3A_251] : memref<200x2x128x8x128xf32, #tpu.memory_space<hbm>> -> memref<1x2x4x8x128xf32, #tpu.memory_space<hbm>>
          %dma_wait3A_253 = tpu.memref_squeeze %dma_wait3A_252 : memref<1x2x4x8x128xf32, #tpu.memory_space<hbm>> -> memref<2x4x8x128xf32, #tpu.memory_space<hbm>>
          %dma_wait3A_254 = arith.constant 0 : i32
          %dma_wait3A_255 = arith.constant 0 : i32
          %dma_wait3A_256 = arith.constant 0 : i32
          %dma_wait3A_257 = tpu.memref_slice %arg4[%sub3A_241, %dma_wait3A_254, %mul3A_2, %dma_wait3A_255, %dma_wait3A_256] : memref<200x2x128x8x128xf32, #tpu.memory_space<hbm>> -> memref<1x2x4x8x128xf32, #tpu.memory_space<hbm>>
          %dma_wait3A_258 = tpu.memref_squeeze %dma_wait3A_257 : memref<1x2x4x8x128xf32, #tpu.memory_space<hbm>> -> memref<2x4x8x128xf32, #tpu.memory_space<hbm>>
          %dma_wait3A_259 = arith.constant 0 : i32
          %dma_wait3A_260 = arith.constant 0 : i32
          %dma_wait3A_261 = arith.constant 0 : i32
          %dma_wait3A_262 = arith.constant 0 : i32
          %dma_wait3A_263 = tpu.memref_slice %arg7[%dma_wait3A_242, %dma_wait3A_259, %dma_wait3A_260, %dma_wait3A_261, %dma_wait3A_262] : memref<2x2x4x8x128xf32, #tpu.memory_space<vmem>> -> memref<1x2x4x8x128xf32, #tpu.memory_space<vmem>>
          %dma_wait3A_264 = tpu.memref_squeeze %dma_wait3A_263 : memref<1x2x4x8x128xf32, #tpu.memory_space<vmem>> -> memref<2x4x8x128xf32, #tpu.memory_space<vmem>>
          tpu.wait_dma2 semaphore(%arg8 : memref<!tpu.dma_semaphore, #tpu.memory_space<semaphore_mem>>) src(%dma_wait3A_264 : memref<2x4x8x128xf32, #tpu.memory_space<vmem>>) dst(%dma_wait3A_258 : memref<2x4x8x128xf32, #tpu.memory_space<hbm>>)
        } else {
        }
        %parallel_loop3A = arith.constant 0 : i32
        %parallel_loop3A_180 = arith.constant 32 : i32
        %parallel_loop3A_181 = arith.constant 1 : i32
        scf.for %parallel_loop3A_241 = %parallel_loop3A to %parallel_loop3A_180 step %parallel_loop3A_181  : i32 {
          %parallel_loop3A_242 = arith.constant 8 : i32
          %parallel_loop3A_243 = arith.divsi %parallel_loop3A_241, %parallel_loop3A_242 : i32
          %parallel_loop3A_244 = arith.constant 0 : i32
          %parallel_loop3A_245 = arith.cmpi sgt, %parallel_loop3A_241, %parallel_loop3A_244 : i32
          %parallel_loop3A_246 = arith.extui %parallel_loop3A_245 : i1 to i32
          %parallel_loop3A_247 = arith.constant 0 : i32
          %parallel_loop3A_248 = arith.cmpi slt, %parallel_loop3A_241, %parallel_loop3A_247 : i32
          %parallel_loop3A_249 = arith.extui %parallel_loop3A_248 : i1 to i32
          %parallel_loop3A_250 = arith.subi %parallel_loop3A_246, %parallel_loop3A_249 : i32
          %parallel_loop3A_251 = arith.constant 0 : i32
          %parallel_loop3A_252 = arith.cmpi sgt, %parallel_loop3A_242, %parallel_loop3A_251 : i32
          %parallel_loop3A_253 = arith.extui %parallel_loop3A_252 : i1 to i32
          %parallel_loop3A_254 = arith.constant 0 : i32
          %parallel_loop3A_255 = arith.cmpi slt, %parallel_loop3A_242, %parallel_loop3A_254 : i32
          %parallel_loop3A_256 = arith.extui %parallel_loop3A_255 : i1 to i32
          %parallel_loop3A_257 = arith.subi %parallel_loop3A_253, %parallel_loop3A_256 : i32
          %parallel_loop3A_258 = arith.cmpi ne, %parallel_loop3A_250, %parallel_loop3A_257 : i32
          %parallel_loop3A_259 = arith.remsi %parallel_loop3A_241, %parallel_loop3A_242 : i32
          %parallel_loop3A_260 = arith.constant 0 : i32
          %parallel_loop3A_261 = arith.cmpi ne, %parallel_loop3A_259, %parallel_loop3A_260 : i32
          %parallel_loop3A_262 = arith.andi %parallel_loop3A_258, %parallel_loop3A_261 : i1
          %parallel_loop3A_263 = arith.constant 1 : i32
          %parallel_loop3A_264 = arith.subi %parallel_loop3A_243, %parallel_loop3A_263 : i32
          %parallel_loop3A_265 = arith.select %parallel_loop3A_262, %parallel_loop3A_264, %parallel_loop3A_243 : i32
          %parallel_loop3A_266 = arith.constant 8 : i32
          %parallel_loop3A_267 = arith.constant 0 : i32
          %parallel_loop3A_268 = arith.cmpi eq, %parallel_loop3A_266, %parallel_loop3A_267 : i32
          %parallel_loop3A_269 = arith.constant 1 : i32
          %parallel_loop3A_270 = arith.select %parallel_loop3A_268, %parallel_loop3A_269, %parallel_loop3A_266 : i32
          %parallel_loop3A_271 = arith.remsi %parallel_loop3A_241, %parallel_loop3A_270 : i32
          %parallel_loop3A_272 = arith.constant 0 : i32
          %parallel_loop3A_273 = arith.cmpi ne, %parallel_loop3A_271, %parallel_loop3A_272 : i32
          %parallel_loop3A_274 = arith.constant 0 : i32
          %parallel_loop3A_275 = arith.cmpi slt, %parallel_loop3A_271, %parallel_loop3A_274 : i32
          %parallel_loop3A_276 = arith.constant 0 : i32
          %parallel_loop3A_277 = arith.cmpi slt, %parallel_loop3A_270, %parallel_loop3A_276 : i32
          %parallel_loop3A_278 = arith.xori %parallel_loop3A_275, %parallel_loop3A_277 : i1
          %parallel_loop3A_279 = arith.andi %parallel_loop3A_278, %parallel_loop3A_273 : i1
          %parallel_loop3A_280 = arith.addi %parallel_loop3A_271, %parallel_loop3A_270 : i32
          %parallel_loop3A_281 = arith.select %parallel_loop3A_279, %parallel_loop3A_280, %parallel_loop3A_271 : i32
          %parallel_loop3A_282 = arith.constant 16 : i32
          %parallel_loop3A_283 = arith.muli %parallel_loop3A_281, %parallel_loop3A_282 : i32
          %parallel_loop3A_284 = arith.index_cast %select_n3A_137 : i32 to index
          %parallel_loop3A_285 = arith.index_cast %parallel_loop3A_265 : i32 to index
          %parallel_loop3A_286 = arith.index_cast %add3A_172 : i32 to index
          %parallel_loop3A_287 = arith.index_cast %parallel_loop3A_283 : i32 to index
          %parallel_loop3A_288 = tpu.vector_load %arg6[%parallel_loop3A_284, %parallel_loop3A_285, %parallel_loop3A_286, %parallel_loop3A_287] {strides = array<i32>} : memref<2x4x8x128xi32, #tpu.memory_space<vmem>>, vector<16xi32>,
          %parallel_loop3A_289 = arith.constant 17 : i32
          %parallel_loop3A_290 = vector.broadcast %parallel_loop3A_289 : i32 to vector<16xi32>
          %parallel_loop3A_291 = arith.muli %parallel_loop3A_288, %parallel_loop3A_290 : vector<16xi32>
          %parallel_loop3A_292 = arith.constant 8 : i32
          %parallel_loop3A_293 = arith.divsi %parallel_loop3A_241, %parallel_loop3A_292 : i32
          %parallel_loop3A_294 = arith.constant 0 : i32
          %parallel_loop3A_295 = arith.cmpi sgt, %parallel_loop3A_241, %parallel_loop3A_294 : i32
          %parallel_loop3A_296 = arith.extui %parallel_loop3A_295 : i1 to i32
          %parallel_loop3A_297 = arith.constant 0 : i32
          %parallel_loop3A_298 = arith.cmpi slt, %parallel_loop3A_241, %parallel_loop3A_297 : i32
          %parallel_loop3A_299 = arith.extui %parallel_loop3A_298 : i1 to i32
          %parallel_loop3A_300 = arith.subi %parallel_loop3A_296, %parallel_loop3A_299 : i32
          %parallel_loop3A_301 = arith.constant 0 : i32
          %parallel_loop3A_302 = arith.cmpi sgt, %parallel_loop3A_292, %parallel_loop3A_301 : i32
          %parallel_loop3A_303 = arith.extui %parallel_loop3A_302 : i1 to i32
          %parallel_loop3A_304 = arith.constant 0 : i32
          %parallel_loop3A_305 = arith.cmpi slt, %parallel_loop3A_292, %parallel_loop3A_304 : i32
          %parallel_loop3A_306 = arith.extui %parallel_loop3A_305 : i1 to i32
          %parallel_loop3A_307 = arith.subi %parallel_loop3A_303, %parallel_loop3A_306 : i32
          %parallel_loop3A_308 = arith.cmpi ne, %parallel_loop3A_300, %parallel_loop3A_307 : i32
          %parallel_loop3A_309 = arith.remsi %parallel_loop3A_241, %parallel_loop3A_292 : i32
          %parallel_loop3A_310 = arith.constant 0 : i32
          %parallel_loop3A_311 = arith.cmpi ne, %parallel_loop3A_309, %parallel_loop3A_310 : i32
          %parallel_loop3A_312 = arith.andi %parallel_loop3A_308, %parallel_loop3A_311 : i1
          %parallel_loop3A_313 = arith.constant 1 : i32
          %parallel_loop3A_314 = arith.subi %parallel_loop3A_293, %parallel_loop3A_313 : i32
          %parallel_loop3A_315 = arith.select %parallel_loop3A_312, %parallel_loop3A_314, %parallel_loop3A_293 : i32
          %parallel_loop3A_316 = arith.constant 8 : i32
          %parallel_loop3A_317 = arith.constant 0 : i32
          %parallel_loop3A_318 = arith.cmpi eq, %parallel_loop3A_316, %parallel_loop3A_317 : i32
          %parallel_loop3A_319 = arith.constant 1 : i32
          %parallel_loop3A_320 = arith.select %parallel_loop3A_318, %parallel_loop3A_319, %parallel_loop3A_316 : i32
          %parallel_loop3A_321 = arith.remsi %parallel_loop3A_241, %parallel_loop3A_320 : i32
          %parallel_loop3A_322 = arith.constant 0 : i32
          %parallel_loop3A_323 = arith.cmpi ne, %parallel_loop3A_321, %parallel_loop3A_322 : i32
          %parallel_loop3A_324 = arith.constant 0 : i32
          %parallel_loop3A_325 = arith.cmpi slt, %parallel_loop3A_321, %parallel_loop3A_324 : i32
          %parallel_loop3A_326 = arith.constant 0 : i32
          %parallel_loop3A_327 = arith.cmpi slt, %parallel_loop3A_320, %parallel_loop3A_326 : i32
          %parallel_loop3A_328 = arith.xori %parallel_loop3A_325, %parallel_loop3A_327 : i1
          %parallel_loop3A_329 = arith.andi %parallel_loop3A_328, %parallel_loop3A_323 : i1
          %parallel_loop3A_330 = arith.addi %parallel_loop3A_321, %parallel_loop3A_320 : i32
          %parallel_loop3A_331 = arith.select %parallel_loop3A_329, %parallel_loop3A_330, %parallel_loop3A_321 : i32
          %parallel_loop3A_332 = arith.constant 16 : i32
          %parallel_loop3A_333 = arith.muli %parallel_loop3A_331, %parallel_loop3A_332 : i32
          %parallel_loop3A_334 = arith.addi %parallel_loop3A_291, %broadcast_in_dim3A_3 : vector<16xi32>
          %parallel_loop3A_335 = tpu.vector_load_idx %arg5[%parallel_loop3A_334] : memref<85000xf32, #tpu.memory_space<vmem>>[vector<16xi32>], vector<16xf32>,
          %parallel_loop3A_336 = arith.constant 0 : i32
          %parallel_loop3A_337 = arith.constant 0 : i32
          %parallel_loop3A_338 = arith.constant 0 : i32
          %parallel_loop3A_339 = arith.index_cast %parallel_loop3A_336 : i32 to index
          %parallel_loop3A_340 = arith.index_cast %parallel_loop3A_337 : i32 to index
          %parallel_loop3A_341 = arith.index_cast %parallel_loop3A_315 : i32 to index
          %parallel_loop3A_342 = arith.index_cast %parallel_loop3A_338 : i32 to index
          %parallel_loop3A_343 = arith.index_cast %parallel_loop3A_333 : i32 to index
          %parallel_loop3A_344 = tpu.vector_load %arg7[%parallel_loop3A_339, %parallel_loop3A_340, %parallel_loop3A_341, %parallel_loop3A_342, %parallel_loop3A_343] {strides = array<i32>} : memref<2x2x4x8x128xf32, #tpu.memory_space<vmem>>, vector<16xf32>,
          tpu.vector_store %arg7[%parallel_loop3A_339, %parallel_loop3A_340, %parallel_loop3A_341, %parallel_loop3A_342, %parallel_loop3A_343], %parallel_loop3A_335 {strides = array<i32>} : memref<2x2x4x8x128xf32, #tpu.memory_space<vmem>>, vector<16xf32>,
          %parallel_loop3A_345 = arith.addi %parallel_loop3A_291, %broadcast_in_dim3A_5 : vector<16xi32>
          %parallel_loop3A_346 = tpu.vector_load_idx %arg5[%parallel_loop3A_345] : memref<85000xf32, #tpu.memory_space<vmem>>[vector<16xi32>], vector<16xf32>,
          %parallel_loop3A_347 = arith.constant 0 : i32
          %parallel_loop3A_348 = arith.constant 0 : i32
          %parallel_loop3A_349 = arith.constant 1 : i32
          %parallel_loop3A_350 = arith.index_cast %parallel_loop3A_347 : i32 to index
          %parallel_loop3A_351 = arith.index_cast %parallel_loop3A_348 : i32 to index
          %parallel_loop3A_352 = arith.index_cast %parallel_loop3A_315 : i32 to index
          %parallel_loop3A_353 = arith.index_cast %parallel_loop3A_349 : i32 to index
          %parallel_loop3A_354 = arith.index_cast %parallel_loop3A_333 : i32 to index
          %parallel_loop3A_355 = tpu.vector_load %arg7[%parallel_loop3A_350, %parallel_loop3A_351, %parallel_loop3A_352, %parallel_loop3A_353, %parallel_loop3A_354] {strides = array<i32>} : memref<2x2x4x8x128xf32, #tpu.memory_space<vmem>>, vector<16xf32>,
          tpu.vector_store %arg7[%parallel_loop3A_350, %parallel_loop3A_351, %parallel_loop3A_352, %parallel_loop3A_353, %parallel_loop3A_354], %parallel_loop3A_346 {strides = array<i32>} : memref<2x2x4x8x128xf32, #tpu.memory_space<vmem>>, vector<16xf32>,
          %parallel_loop3A_356 = arith.addi %parallel_loop3A_291, %broadcast_in_dim3A_7 : vector<16xi32>
          %parallel_loop3A_357 = tpu.vector_load_idx %arg5[%parallel_loop3A_356] : memref<85000xf32, #tpu.memory_space<vmem>>[vector<16xi32>], vector<16xf32>,
          %parallel_loop3A_358 = arith.constant 0 : i32
          %parallel_loop3A_359 = arith.constant 0 : i32
          %parallel_loop3A_360 = arith.constant 2 : i32
          %parallel_loop3A_361 = arith.index_cast %parallel_loop3A_358 : i32 to index
          %parallel_loop3A_362 = arith.index_cast %parallel_loop3A_359 : i32 to index
          %parallel_loop3A_363 = arith.index_cast %parallel_loop3A_315 : i32 to index
          %parallel_loop3A_364 = arith.index_cast %parallel_loop3A_360 : i32 to index
          %parallel_loop3A_365 = arith.index_cast %parallel_loop3A_333 : i32 to index
          %parallel_loop3A_366 = tpu.vector_load %arg7[%parallel_loop3A_361, %parallel_loop3A_362, %parallel_loop3A_363, %parallel_loop3A_364, %parallel_loop3A_365] {strides = array<i32>} : memref<2x2x4x8x128xf32, #tpu.memory_space<vmem>>, vector<16xf32>,
          tpu.vector_store %arg7[%parallel_loop3A_361, %parallel_loop3A_362, %parallel_loop3A_363, %parallel_loop3A_364, %parallel_loop3A_365], %parallel_loop3A_357 {strides = array<i32>} : memref<2x2x4x8x128xf32, #tpu.memory_space<vmem>>, vector<16xf32>,
          %parallel_loop3A_367 = arith.addi %parallel_loop3A_291, %broadcast_in_dim3A_9 : vector<16xi32>
          %parallel_loop3A_368 = tpu.vector_load_idx %arg5[%parallel_loop3A_367] : memref<85000xf32, #tpu.memory_space<vmem>>[vector<16xi32>], vector<16xf32>,
          %parallel_loop3A_369 = arith.constant 0 : i32
          %parallel_loop3A_370 = arith.constant 0 : i32
          %parallel_loop3A_371 = arith.constant 3 : i32
          %parallel_loop3A_372 = arith.index_cast %parallel_loop3A_369 : i32 to index
          %parallel_loop3A_373 = arith.index_cast %parallel_loop3A_370 : i32 to index
          %parallel_loop3A_374 = arith.index_cast %parallel_loop3A_315 : i32 to index
          %parallel_loop3A_375 = arith.index_cast %parallel_loop3A_371 : i32 to index
          %parallel_loop3A_376 = arith.index_cast %parallel_loop3A_333 : i32 to index
          %parallel_loop3A_377 = tpu.vector_load %arg7[%parallel_loop3A_372, %parallel_loop3A_373, %parallel_loop3A_374, %parallel_loop3A_375, %parallel_loop3A_376] {strides = array<i32>} : memref<2x2x4x8x128xf32, #tpu.memory_space<vmem>>, vector<16xf32>,
          tpu.vector_store %arg7[%parallel_loop3A_372, %parallel_loop3A_373, %parallel_loop3A_374, %parallel_loop3A_375, %parallel_loop3A_376], %parallel_loop3A_368 {strides = array<i32>} : memref<2x2x4x8x128xf32, #tpu.memory_space<vmem>>, vector<16xf32>,
          %parallel_loop3A_378 = arith.addi %parallel_loop3A_291, %broadcast_in_dim3A_11 : vector<16xi32>
          %parallel_loop3A_379 = tpu.vector_load_idx %arg5[%parallel_loop3A_378] : memref<85000xf32, #tpu.memory_space<vmem>>[vector<16xi32>], vector<16xf32>,
          %parallel_loop3A_380 = arith.constant 0 : i32
          %parallel_loop3A_381 = arith.constant 0 : i32
          %parallel_loop3A_382 = arith.constant 4 : i32
          %parallel_loop3A_383 = arith.index_cast %parallel_loop3A_380 : i32 to index
          %parallel_loop3A_384 = arith.index_cast %parallel_loop3A_381 : i32 to index
          %parallel_loop3A_385 = arith.index_cast %parallel_loop3A_315 : i32 to index
          %parallel_loop3A_386 = arith.index_cast %parallel_loop3A_382 : i32 to index
          %parallel_loop3A_387 = arith.index_cast %parallel_loop3A_333 : i32 to index
          %parallel_loop3A_388 = tpu.vector_load %arg7[%parallel_loop3A_383, %parallel_loop3A_384, %parallel_loop3A_385, %parallel_loop3A_386, %parallel_loop3A_387] {strides = array<i32>} : memref<2x2x4x8x128xf32, #tpu.memory_space<vmem>>, vector<16xf32>,
          tpu.vector_store %arg7[%parallel_loop3A_383, %parallel_loop3A_384, %parallel_loop3A_385, %parallel_loop3A_386, %parallel_loop3A_387], %parallel_loop3A_379 {strides = array<i32>} : memref<2x2x4x8x128xf32, #tpu.memory_space<vmem>>, vector<16xf32>,
          %parallel_loop3A_389 = arith.addi %parallel_loop3A_291, %broadcast_in_dim3A_13 : vector<16xi32>
          %parallel_loop3A_390 = tpu.vector_load_idx %arg5[%parallel_loop3A_389] : memref<85000xf32, #tpu.memory_space<vmem>>[vector<16xi32>], vector<16xf32>,
          %parallel_loop3A_391 = arith.constant 0 : i32
          %parallel_loop3A_392 = arith.constant 0 : i32
          %parallel_loop3A_393 = arith.constant 5 : i32
          %parallel_loop3A_394 = arith.index_cast %parallel_loop3A_391 : i32 to index
          %parallel_loop3A_395 = arith.index_cast %parallel_loop3A_392 : i32 to index
          %parallel_loop3A_396 = arith.index_cast %parallel_loop3A_315 : i32 to index
          %parallel_loop3A_397 = arith.index_cast %parallel_loop3A_393 : i32 to index
          %parallel_loop3A_398 = arith.index_cast %parallel_loop3A_333 : i32 to index
          %parallel_loop3A_399 = tpu.vector_load %arg7[%parallel_loop3A_394, %parallel_loop3A_395, %parallel_loop3A_396, %parallel_loop3A_397, %parallel_loop3A_398] {strides = array<i32>} : memref<2x2x4x8x128xf32, #tpu.memory_space<vmem>>, vector<16xf32>,
          tpu.vector_store %arg7[%parallel_loop3A_394, %parallel_loop3A_395, %parallel_loop3A_396, %parallel_loop3A_397, %parallel_loop3A_398], %parallel_loop3A_390 {strides = array<i32>} : memref<2x2x4x8x128xf32, #tpu.memory_space<vmem>>, vector<16xf32>,
          %parallel_loop3A_400 = arith.addi %parallel_loop3A_291, %broadcast_in_dim3A_15 : vector<16xi32>
          %parallel_loop3A_401 = tpu.vector_load_idx %arg5[%parallel_loop3A_400] : memref<85000xf32, #tpu.memory_space<vmem>>[vector<16xi32>], vector<16xf32>,
          %parallel_loop3A_402 = arith.constant 0 : i32
          %parallel_loop3A_403 = arith.constant 0 : i32
          %parallel_loop3A_404 = arith.constant 6 : i32
          %parallel_loop3A_405 = arith.index_cast %parallel_loop3A_402 : i32 to index
          %parallel_loop3A_406 = arith.index_cast %parallel_loop3A_403 : i32 to index
          %parallel_loop3A_407 = arith.index_cast %parallel_loop3A_315 : i32 to index
          %parallel_loop3A_408 = arith.index_cast %parallel_loop3A_404 : i32 to index
          %parallel_loop3A_409 = arith.index_cast %parallel_loop3A_333 : i32 to index
          %parallel_loop3A_410 = tpu.vector_load %arg7[%parallel_loop3A_405, %parallel_loop3A_406, %parallel_loop3A_407, %parallel_loop3A_408, %parallel_loop3A_409] {strides = array<i32>} : memref<2x2x4x8x128xf32, #tpu.memory_space<vmem>>, vector<16xf32>,
          tpu.vector_store %arg7[%parallel_loop3A_405, %parallel_loop3A_406, %parallel_loop3A_407, %parallel_loop3A_408, %parallel_loop3A_409], %parallel_loop3A_401 {strides = array<i32>} : memref<2x2x4x8x128xf32, #tpu.memory_space<vmem>>, vector<16xf32>,
          %parallel_loop3A_411 = arith.addi %parallel_loop3A_291, %broadcast_in_dim3A_17 : vector<16xi32>
          %parallel_loop3A_412 = tpu.vector_load_idx %arg5[%parallel_loop3A_411] : memref<85000xf32, #tpu.memory_space<vmem>>[vector<16xi32>], vector<16xf32>,
          %parallel_loop3A_413 = arith.constant 0 : i32
          %parallel_loop3A_414 = arith.constant 0 : i32
          %parallel_loop3A_415 = arith.constant 7 : i32
          %parallel_loop3A_416 = arith.index_cast %parallel_loop3A_413 : i32 to index
          %parallel_loop3A_417 = arith.index_cast %parallel_loop3A_414 : i32 to index
          %parallel_loop3A_418 = arith.index_cast %parallel_loop3A_315 : i32 to index
          %parallel_loop3A_419 = arith.index_cast %parallel_loop3A_415 : i32 to index
          %parallel_loop3A_420 = arith.index_cast %parallel_loop3A_333 : i32 to index
          %parallel_loop3A_421 = tpu.vector_load %arg7[%parallel_loop3A_416, %parallel_loop3A_417, %parallel_loop3A_418, %parallel_loop3A_419, %parallel_loop3A_420] {strides = array<i32>} : memref<2x2x4x8x128xf32, #tpu.memory_space<vmem>>, vector<16xf32>,
          tpu.vector_store %arg7[%parallel_loop3A_416, %parallel_loop3A_417, %parallel_loop3A_418, %parallel_loop3A_419, %parallel_loop3A_420], %parallel_loop3A_412 {strides = array<i32>} : memref<2x2x4x8x128xf32, #tpu.memory_space<vmem>>, vector<16xf32>,
          %parallel_loop3A_422 = arith.addi %parallel_loop3A_291, %broadcast_in_dim3A_19 : vector<16xi32>
          %parallel_loop3A_423 = tpu.vector_load_idx %arg5[%parallel_loop3A_422] : memref<85000xf32, #tpu.memory_space<vmem>>[vector<16xi32>], vector<16xf32>,
          %parallel_loop3A_424 = arith.constant 0 : i32
          %parallel_loop3A_425 = arith.constant 1 : i32
          %parallel_loop3A_426 = arith.constant 0 : i32
          %parallel_loop3A_427 = arith.index_cast %parallel_loop3A_424 : i32 to index
          %parallel_loop3A_428 = arith.index_cast %parallel_loop3A_425 : i32 to index
          %parallel_loop3A_429 = arith.index_cast %parallel_loop3A_315 : i32 to index
          %parallel_loop3A_430 = arith.index_cast %parallel_loop3A_426 : i32 to index
          %parallel_loop3A_431 = arith.index_cast %parallel_loop3A_333 : i32 to index
          %parallel_loop3A_432 = tpu.vector_load %arg7[%parallel_loop3A_427, %parallel_loop3A_428, %parallel_loop3A_429, %parallel_loop3A_430, %parallel_loop3A_431] {strides = array<i32>} : memref<2x2x4x8x128xf32, #tpu.memory_space<vmem>>, vector<16xf32>,
          tpu.vector_store %arg7[%parallel_loop3A_427, %parallel_loop3A_428, %parallel_loop3A_429, %parallel_loop3A_430, %parallel_loop3A_431], %parallel_loop3A_423 {strides = array<i32>} : memref<2x2x4x8x128xf32, #tpu.memory_space<vmem>>, vector<16xf32>,
          %parallel_loop3A_433 = arith.addi %parallel_loop3A_291, %broadcast_in_dim3A_21 : vector<16xi32>
          %parallel_loop3A_434 = tpu.vector_load_idx %arg5[%parallel_loop3A_433] : memref<85000xf32, #tpu.memory_space<vmem>>[vector<16xi32>], vector<16xf32>,
          %parallel_loop3A_435 = arith.constant 0 : i32
          %parallel_loop3A_436 = arith.constant 1 : i32
          %parallel_loop3A_437 = arith.constant 1 : i32
          %parallel_loop3A_438 = arith.index_cast %parallel_loop3A_435 : i32 to index
          %parallel_loop3A_439 = arith.index_cast %parallel_loop3A_436 : i32 to index
          %parallel_loop3A_440 = arith.index_cast %parallel_loop3A_315 : i32 to index
          %parallel_loop3A_441 = arith.index_cast %parallel_loop3A_437 : i32 to index
          %parallel_loop3A_442 = arith.index_cast %parallel_loop3A_333 : i32 to index
          %parallel_loop3A_443 = tpu.vector_load %arg7[%parallel_loop3A_438, %parallel_loop3A_439, %parallel_loop3A_440, %parallel_loop3A_441, %parallel_loop3A_442] {strides = array<i32>} : memref<2x2x4x8x128xf32, #tpu.memory_space<vmem>>, vector<16xf32>,
          tpu.vector_store %arg7[%parallel_loop3A_438, %parallel_loop3A_439, %parallel_loop3A_440, %parallel_loop3A_441, %parallel_loop3A_442], %parallel_loop3A_434 {strides = array<i32>} : memref<2x2x4x8x128xf32, #tpu.memory_space<vmem>>, vector<16xf32>,
          %parallel_loop3A_444 = arith.addi %parallel_loop3A_291, %broadcast_in_dim3A_23 : vector<16xi32>
          %parallel_loop3A_445 = tpu.vector_load_idx %arg5[%parallel_loop3A_444] : memref<85000xf32, #tpu.memory_space<vmem>>[vector<16xi32>], vector<16xf32>,
          %parallel_loop3A_446 = arith.constant 0 : i32
          %parallel_loop3A_447 = arith.constant 1 : i32
          %parallel_loop3A_448 = arith.constant 2 : i32
          %parallel_loop3A_449 = arith.index_cast %parallel_loop3A_446 : i32 to index
          %parallel_loop3A_450 = arith.index_cast %parallel_loop3A_447 : i32 to index
          %parallel_loop3A_451 = arith.index_cast %parallel_loop3A_315 : i32 to index
          %parallel_loop3A_452 = arith.index_cast %parallel_loop3A_448 : i32 to index
          %parallel_loop3A_453 = arith.index_cast %parallel_loop3A_333 : i32 to index
          %parallel_loop3A_454 = tpu.vector_load %arg7[%parallel_loop3A_449, %parallel_loop3A_450, %parallel_loop3A_451, %parallel_loop3A_452, %parallel_loop3A_453] {strides = array<i32>} : memref<2x2x4x8x128xf32, #tpu.memory_space<vmem>>, vector<16xf32>,
          tpu.vector_store %arg7[%parallel_loop3A_449, %parallel_loop3A_450, %parallel_loop3A_451, %parallel_loop3A_452, %parallel_loop3A_453], %parallel_loop3A_445 {strides = array<i32>} : memref<2x2x4x8x128xf32, #tpu.memory_space<vmem>>, vector<16xf32>,
          %parallel_loop3A_455 = arith.addi %parallel_loop3A_291, %broadcast_in_dim3A_25 : vector<16xi32>
          %parallel_loop3A_456 = tpu.vector_load_idx %arg5[%parallel_loop3A_455] : memref<85000xf32, #tpu.memory_space<vmem>>[vector<16xi32>], vector<16xf32>,
          %parallel_loop3A_457 = arith.constant 0 : i32
          %parallel_loop3A_458 = arith.constant 1 : i32
          %parallel_loop3A_459 = arith.constant 3 : i32
          %parallel_loop3A_460 = arith.index_cast %parallel_loop3A_457 : i32 to index
          %parallel_loop3A_461 = arith.index_cast %parallel_loop3A_458 : i32 to index
          %parallel_loop3A_462 = arith.index_cast %parallel_loop3A_315 : i32 to index
          %parallel_loop3A_463 = arith.index_cast %parallel_loop3A_459 : i32 to index
          %parallel_loop3A_464 = arith.index_cast %parallel_loop3A_333 : i32 to index
          %parallel_loop3A_465 = tpu.vector_load %arg7[%parallel_loop3A_460, %parallel_loop3A_461, %parallel_loop3A_462, %parallel_loop3A_463, %parallel_loop3A_464] {strides = array<i32>} : memref<2x2x4x8x128xf32, #tpu.memory_space<vmem>>, vector<16xf32>,
          tpu.vector_store %arg7[%parallel_loop3A_460, %parallel_loop3A_461, %parallel_loop3A_462, %parallel_loop3A_463, %parallel_loop3A_464], %parallel_loop3A_456 {strides = array<i32>} : memref<2x2x4x8x128xf32, #tpu.memory_space<vmem>>, vector<16xf32>,
          %parallel_loop3A_466 = arith.addi %parallel_loop3A_291, %broadcast_in_dim3A_27 : vector<16xi32>
          %parallel_loop3A_467 = tpu.vector_load_idx %arg5[%parallel_loop3A_466] : memref<85000xf32, #tpu.memory_space<vmem>>[vector<16xi32>], vector<16xf32>,
          %parallel_loop3A_468 = arith.constant 0 : i32
          %parallel_loop3A_469 = arith.constant 1 : i32
          %parallel_loop3A_470 = arith.constant 4 : i32
          %parallel_loop3A_471 = arith.index_cast %parallel_loop3A_468 : i32 to index
          %parallel_loop3A_472 = arith.index_cast %parallel_loop3A_469 : i32 to index
          %parallel_loop3A_473 = arith.index_cast %parallel_loop3A_315 : i32 to index
          %parallel_loop3A_474 = arith.index_cast %parallel_loop3A_470 : i32 to index
          %parallel_loop3A_475 = arith.index_cast %parallel_loop3A_333 : i32 to index
          %parallel_loop3A_476 = tpu.vector_load %arg7[%parallel_loop3A_471, %parallel_loop3A_472, %parallel_loop3A_473, %parallel_loop3A_474, %parallel_loop3A_475] {strides = array<i32>} : memref<2x2x4x8x128xf32, #tpu.memory_space<vmem>>, vector<16xf32>,
          tpu.vector_store %arg7[%parallel_loop3A_471, %parallel_loop3A_472, %parallel_loop3A_473, %parallel_loop3A_474, %parallel_loop3A_475], %parallel_loop3A_467 {strides = array<i32>} : memref<2x2x4x8x128xf32, #tpu.memory_space<vmem>>, vector<16xf32>,
          %parallel_loop3A_477 = arith.addi %parallel_loop3A_291, %broadcast_in_dim3A_29 : vector<16xi32>
          %parallel_loop3A_478 = tpu.vector_load_idx %arg5[%parallel_loop3A_477] : memref<85000xf32, #tpu.memory_space<vmem>>[vector<16xi32>], vector<16xf32>,
          %parallel_loop3A_479 = arith.constant 0 : i32
          %parallel_loop3A_480 = arith.constant 1 : i32
          %parallel_loop3A_481 = arith.constant 5 : i32
          %parallel_loop3A_482 = arith.index_cast %parallel_loop3A_479 : i32 to index
          %parallel_loop3A_483 = arith.index_cast %parallel_loop3A_480 : i32 to index
          %parallel_loop3A_484 = arith.index_cast %parallel_loop3A_315 : i32 to index
          %parallel_loop3A_485 = arith.index_cast %parallel_loop3A_481 : i32 to index
          %parallel_loop3A_486 = arith.index_cast %parallel_loop3A_333 : i32 to index
          %parallel_loop3A_487 = tpu.vector_load %arg7[%parallel_loop3A_482, %parallel_loop3A_483, %parallel_loop3A_484, %parallel_loop3A_485, %parallel_loop3A_486] {strides = array<i32>} : memref<2x2x4x8x128xf32, #tpu.memory_space<vmem>>, vector<16xf32>,
          tpu.vector_store %arg7[%parallel_loop3A_482, %parallel_loop3A_483, %parallel_loop3A_484, %parallel_loop3A_485, %parallel_loop3A_486], %parallel_loop3A_478 {strides = array<i32>} : memref<2x2x4x8x128xf32, #tpu.memory_space<vmem>>, vector<16xf32>,
          %parallel_loop3A_488 = arith.addi %parallel_loop3A_291, %broadcast_in_dim3A_31 : vector<16xi32>
          %parallel_loop3A_489 = tpu.vector_load_idx %arg5[%parallel_loop3A_488] : memref<85000xf32, #tpu.memory_space<vmem>>[vector<16xi32>], vector<16xf32>,
          %parallel_loop3A_490 = arith.constant 0 : i32
          %parallel_loop3A_491 = arith.constant 1 : i32
          %parallel_loop3A_492 = arith.constant 6 : i32
          %parallel_loop3A_493 = arith.index_cast %parallel_loop3A_490 : i32 to index
          %parallel_loop3A_494 = arith.index_cast %parallel_loop3A_491 : i32 to index
          %parallel_loop3A_495 = arith.index_cast %parallel_loop3A_315 : i32 to index
          %parallel_loop3A_496 = arith.index_cast %parallel_loop3A_492 : i32 to index
          %parallel_loop3A_497 = arith.index_cast %parallel_loop3A_333 : i32 to index
          %parallel_loop3A_498 = tpu.vector_load %arg7[%parallel_loop3A_493, %parallel_loop3A_494, %parallel_loop3A_495, %parallel_loop3A_496, %parallel_loop3A_497] {strides = array<i32>} : memref<2x2x4x8x128xf32, #tpu.memory_space<vmem>>, vector<16xf32>,
          tpu.vector_store %arg7[%parallel_loop3A_493, %parallel_loop3A_494, %parallel_loop3A_495, %parallel_loop3A_496, %parallel_loop3A_497], %parallel_loop3A_489 {strides = array<i32>} : memref<2x2x4x8x128xf32, #tpu.memory_space<vmem>>, vector<16xf32>,
          %parallel_loop3A_499 = arith.addi %parallel_loop3A_291, %broadcast_in_dim3A_33 : vector<16xi32>
          %parallel_loop3A_500 = tpu.vector_load_idx %arg5[%parallel_loop3A_499] : memref<85000xf32, #tpu.memory_space<vmem>>[vector<16xi32>], vector<16xf32>,
          %parallel_loop3A_501 = arith.constant 0 : i32
          %parallel_loop3A_502 = arith.constant 1 : i32
          %parallel_loop3A_503 = arith.constant 7 : i32
          %parallel_loop3A_504 = arith.index_cast %parallel_loop3A_501 : i32 to index
          %parallel_loop3A_505 = arith.index_cast %parallel_loop3A_502 : i32 to index
          %parallel_loop3A_506 = arith.index_cast %parallel_loop3A_315 : i32 to index
          %parallel_loop3A_507 = arith.index_cast %parallel_loop3A_503 : i32 to index
          %parallel_loop3A_508 = arith.index_cast %parallel_loop3A_333 : i32 to index
          %parallel_loop3A_509 = tpu.vector_load %arg7[%parallel_loop3A_504, %parallel_loop3A_505, %parallel_loop3A_506, %parallel_loop3A_507, %parallel_loop3A_508] {strides = array<i32>} : memref<2x2x4x8x128xf32, #tpu.memory_space<vmem>>, vector<16xf32>,
          tpu.vector_store %arg7[%parallel_loop3A_504, %parallel_loop3A_505, %parallel_loop3A_506, %parallel_loop3A_507, %parallel_loop3A_508], %parallel_loop3A_500 {strides = array<i32>} : memref<2x2x4x8x128xf32, #tpu.memory_space<vmem>>, vector<16xf32>,
        } {sc.loop_unroll_factor = 2 : i64, sc.parallel_access}
        %dma_start3A_182 = arith.constant 0 : i32
        %dma_start3A_183 = arith.constant 0 : i32
        %dma_start3A_184 = arith.constant 0 : i32
        %dma_start3A_185 = arith.constant 0 : i32
        %dma_start3A_186 = arith.constant 0 : i32
        %dma_start3A_187 = tpu.memref_slice %arg7[%dma_start3A_182, %dma_start3A_183, %dma_start3A_184, %dma_start3A_185, %dma_start3A_186] : memref<2x2x4x8x128xf32, #tpu.memory_space<vmem>> -> memref<1x2x4x8x128xf32, #tpu.memory_space<vmem>>
        %dma_start3A_188 = tpu.memref_squeeze %dma_start3A_187 : memref<1x2x4x8x128xf32, #tpu.memory_space<vmem>> -> memref<2x4x8x128xf32, #tpu.memory_space<vmem>>
        %dma_start3A_189 = arith.constant 0 : i32
        %dma_start3A_190 = arith.constant 0 : i32
        %dma_start3A_191 = arith.constant 0 : i32
        %dma_start3A_192 = tpu.memref_slice %arg4[%add3A_175, %dma_start3A_189, %mul3A_2, %dma_start3A_190, %dma_start3A_191] : memref<200x2x128x8x128xf32, #tpu.memory_space<hbm>> -> memref<1x2x4x8x128xf32, #tpu.memory_space<hbm>>
        %dma_start3A_193 = tpu.memref_squeeze %dma_start3A_192 : memref<1x2x4x8x128xf32, #tpu.memory_space<hbm>> -> memref<2x4x8x128xf32, #tpu.memory_space<hbm>>
        %dma_start3A_194 = arith.constant 0 : i32
        %dma_start3A_195 = arith.constant 0 : i32
        %dma_start3A_196 = arith.constant 0 : i32
        %dma_start3A_197 = tpu.memref_slice %arg4[%add3A_175, %dma_start3A_194, %mul3A_2, %dma_start3A_195, %dma_start3A_196] : memref<200x2x128x8x128xf32, #tpu.memory_space<hbm>> -> memref<1x2x4x8x128xf32, #tpu.memory_space<hbm>>
        %dma_start3A_198 = tpu.memref_squeeze %dma_start3A_197 : memref<1x2x4x8x128xf32, #tpu.memory_space<hbm>> -> memref<2x4x8x128xf32, #tpu.memory_space<hbm>>
        %dma_start3A_199 = arith.constant 0 : i32
        %dma_start3A_200 = arith.constant 0 : i32
        %dma_start3A_201 = arith.constant 0 : i32
        %dma_start3A_202 = arith.constant 0 : i32
        %dma_start3A_203 = tpu.memref_slice %arg7[%dma_start3A_182, %dma_start3A_199, %dma_start3A_200, %dma_start3A_201, %dma_start3A_202] : memref<2x2x4x8x128xf32, #tpu.memory_space<vmem>> -> memref<1x2x4x8x128xf32, #tpu.memory_space<vmem>>
        %dma_start3A_204 = tpu.memref_squeeze %dma_start3A_203 : memref<1x2x4x8x128xf32, #tpu.memory_space<vmem>> -> memref<2x4x8x128xf32, #tpu.memory_space<vmem>>
        tpu.enqueue_dma source(%dma_start3A_204 : memref<2x4x8x128xf32, #tpu.memory_space<vmem>>) target(%dma_start3A_198 : memref<2x4x8x128xf32, #tpu.memory_space<hbm>>) target_semaphore(%arg8 : memref<!tpu.dma_semaphore, #tpu.memory_space<semaphore_mem>>)
        %add3A_205 = arith.constant 1 : i32
        %add3A_206 = arith.addi %add3A_170, %add3A_205 : i32
        %mul3A_207 = arith.constant 8 : i32
        %mul3A_208 = arith.muli %add3A_128, %mul3A_207 : i32
        %add3A_209 = arith.addi %mul3A_208, %add3A_206 : i32
        %ge3A_210 = arith.constant 2 : i32
        %ge3A_211 = arith.cmpi sge, %add3A_209, %ge3A_210 : i32
        %convert_element_type3A_212 = arith.extui %ge3A_211 : i1 to i32
        %cond3A_213 = arith.constant 0 : i32
        %cond3A_214 = arith.cmpi ne, %convert_element_type3A_212, %cond3A_213 : i32
        scf.if %cond3A_214 {
          %sub3A = arith.constant 2 : i32
          %sub3A_241 = arith.subi %add3A_209, %sub3A : i32
          %dma_wait3A_242 = arith.constant 1 : i32
          %dma_wait3A_243 = arith.constant 0 : i32
          %dma_wait3A_244 = arith.constant 0 : i32
          %dma_wait3A_245 = arith.constant 0 : i32
          %dma_wait3A_246 = arith.constant 0 : i32
          %dma_wait3A_247 = tpu.memref_slice %arg7[%dma_wait3A_242, %dma_wait3A_243, %dma_wait3A_244, %dma_wait3A_245, %dma_wait3A_246] : memref<2x2x4x8x128xf32, #tpu.memory_space<vmem>> -> memref<1x2x4x8x128xf32, #tpu.memory_space<vmem>>
          %dma_wait3A_248 = tpu.memref_squeeze %dma_wait3A_247 : memref<1x2x4x8x128xf32, #tpu.memory_space<vmem>> -> memref<2x4x8x128xf32, #tpu.memory_space<vmem>>
          %dma_wait3A_249 = arith.constant 0 : i32
          %dma_wait3A_250 = arith.constant 0 : i32
          %dma_wait3A_251 = arith.constant 0 : i32
          %dma_wait3A_252 = tpu.memref_slice %arg4[%sub3A_241, %dma_wait3A_249, %mul3A_2, %dma_wait3A_250, %dma_wait3A_251] : memref<200x2x128x8x128xf32, #tpu.memory_space<hbm>> -> memref<1x2x4x8x128xf32, #tpu.memory_space<hbm>>
          %dma_wait3A_253 = tpu.memref_squeeze %dma_wait3A_252 : memref<1x2x4x8x128xf32, #tpu.memory_space<hbm>> -> memref<2x4x8x128xf32, #tpu.memory_space<hbm>>
          %dma_wait3A_254 = arith.constant 0 : i32
          %dma_wait3A_255 = arith.constant 0 : i32
          %dma_wait3A_256 = arith.constant 0 : i32
          %dma_wait3A_257 = tpu.memref_slice %arg4[%sub3A_241, %dma_wait3A_254, %mul3A_2, %dma_wait3A_255, %dma_wait3A_256] : memref<200x2x128x8x128xf32, #tpu.memory_space<hbm>> -> memref<1x2x4x8x128xf32, #tpu.memory_space<hbm>>
          %dma_wait3A_258 = tpu.memref_squeeze %dma_wait3A_257 : memref<1x2x4x8x128xf32, #tpu.memory_space<hbm>> -> memref<2x4x8x128xf32, #tpu.memory_space<hbm>>
          %dma_wait3A_259 = arith.constant 0 : i32
          %dma_wait3A_260 = arith.constant 0 : i32
          %dma_wait3A_261 = arith.constant 0 : i32
          %dma_wait3A_262 = arith.constant 0 : i32
          %dma_wait3A_263 = tpu.memref_slice %arg7[%dma_wait3A_242, %dma_wait3A_259, %dma_wait3A_260, %dma_wait3A_261, %dma_wait3A_262] : memref<2x2x4x8x128xf32, #tpu.memory_space<vmem>> -> memref<1x2x4x8x128xf32, #tpu.memory_space<vmem>>
          %dma_wait3A_264 = tpu.memref_squeeze %dma_wait3A_263 : memref<1x2x4x8x128xf32, #tpu.memory_space<vmem>> -> memref<2x4x8x128xf32, #tpu.memory_space<vmem>>
          tpu.wait_dma2 semaphore(%arg8 : memref<!tpu.dma_semaphore, #tpu.memory_space<semaphore_mem>>) src(%dma_wait3A_264 : memref<2x4x8x128xf32, #tpu.memory_space<vmem>>) dst(%dma_wait3A_258 : memref<2x4x8x128xf32, #tpu.memory_space<hbm>>)
        } else {
        }
        %parallel_loop3A_215 = arith.constant 0 : i32
        %parallel_loop3A_216 = arith.constant 32 : i32
        %parallel_loop3A_217 = arith.constant 1 : i32
        scf.for %parallel_loop3A_241 = %parallel_loop3A_215 to %parallel_loop3A_216 step %parallel_loop3A_217  : i32 {
          %parallel_loop3A_242 = arith.constant 8 : i32
          %parallel_loop3A_243 = arith.divsi %parallel_loop3A_241, %parallel_loop3A_242 : i32
          %parallel_loop3A_244 = arith.constant 0 : i32
          %parallel_loop3A_245 = arith.cmpi sgt, %parallel_loop3A_241, %parallel_loop3A_244 : i32
          %parallel_loop3A_246 = arith.extui %parallel_loop3A_245 : i1 to i32
          %parallel_loop3A_247 = arith.constant 0 : i32
          %parallel_loop3A_248 = arith.cmpi slt, %parallel_loop3A_241, %parallel_loop3A_247 : i32
          %parallel_loop3A_249 = arith.extui %parallel_loop3A_248 : i1 to i32
          %parallel_loop3A_250 = arith.subi %parallel_loop3A_246, %parallel_loop3A_249 : i32
          %parallel_loop3A_251 = arith.constant 0 : i32
          %parallel_loop3A_252 = arith.cmpi sgt, %parallel_loop3A_242, %parallel_loop3A_251 : i32
          %parallel_loop3A_253 = arith.extui %parallel_loop3A_252 : i1 to i32
          %parallel_loop3A_254 = arith.constant 0 : i32
          %parallel_loop3A_255 = arith.cmpi slt, %parallel_loop3A_242, %parallel_loop3A_254 : i32
          %parallel_loop3A_256 = arith.extui %parallel_loop3A_255 : i1 to i32
          %parallel_loop3A_257 = arith.subi %parallel_loop3A_253, %parallel_loop3A_256 : i32
          %parallel_loop3A_258 = arith.cmpi ne, %parallel_loop3A_250, %parallel_loop3A_257 : i32
          %parallel_loop3A_259 = arith.remsi %parallel_loop3A_241, %parallel_loop3A_242 : i32
          %parallel_loop3A_260 = arith.constant 0 : i32
          %parallel_loop3A_261 = arith.cmpi ne, %parallel_loop3A_259, %parallel_loop3A_260 : i32
          %parallel_loop3A_262 = arith.andi %parallel_loop3A_258, %parallel_loop3A_261 : i1
          %parallel_loop3A_263 = arith.constant 1 : i32
          %parallel_loop3A_264 = arith.subi %parallel_loop3A_243, %parallel_loop3A_263 : i32
          %parallel_loop3A_265 = arith.select %parallel_loop3A_262, %parallel_loop3A_264, %parallel_loop3A_243 : i32
          %parallel_loop3A_266 = arith.constant 8 : i32
          %parallel_loop3A_267 = arith.constant 0 : i32
          %parallel_loop3A_268 = arith.cmpi eq, %parallel_loop3A_266, %parallel_loop3A_267 : i32
          %parallel_loop3A_269 = arith.constant 1 : i32
          %parallel_loop3A_270 = arith.select %parallel_loop3A_268, %parallel_loop3A_269, %parallel_loop3A_266 : i32
          %parallel_loop3A_271 = arith.remsi %parallel_loop3A_241, %parallel_loop3A_270 : i32
          %parallel_loop3A_272 = arith.constant 0 : i32
          %parallel_loop3A_273 = arith.cmpi ne, %parallel_loop3A_271, %parallel_loop3A_272 : i32
          %parallel_loop3A_274 = arith.constant 0 : i32
          %parallel_loop3A_275 = arith.cmpi slt, %parallel_loop3A_271, %parallel_loop3A_274 : i32
          %parallel_loop3A_276 = arith.constant 0 : i32
          %parallel_loop3A_277 = arith.cmpi slt, %parallel_loop3A_270, %parallel_loop3A_276 : i32
          %parallel_loop3A_278 = arith.xori %parallel_loop3A_275, %parallel_loop3A_277 : i1
          %parallel_loop3A_279 = arith.andi %parallel_loop3A_278, %parallel_loop3A_273 : i1
          %parallel_loop3A_280 = arith.addi %parallel_loop3A_271, %parallel_loop3A_270 : i32
          %parallel_loop3A_281 = arith.select %parallel_loop3A_279, %parallel_loop3A_280, %parallel_loop3A_271 : i32
          %parallel_loop3A_282 = arith.constant 16 : i32
          %parallel_loop3A_283 = arith.muli %parallel_loop3A_281, %parallel_loop3A_282 : i32
          %parallel_loop3A_284 = arith.index_cast %select_n3A_137 : i32 to index
          %parallel_loop3A_285 = arith.index_cast %parallel_loop3A_265 : i32 to index
          %parallel_loop3A_286 = arith.index_cast %add3A_206 : i32 to index
          %parallel_loop3A_287 = arith.index_cast %parallel_loop3A_283 : i32 to index
          %parallel_loop3A_288 = tpu.vector_load %arg6[%parallel_loop3A_284, %parallel_loop3A_285, %parallel_loop3A_286, %parallel_loop3A_287] {strides = array<i32>} : memref<2x4x8x128xi32, #tpu.memory_space<vmem>>, vector<16xi32>,
          %parallel_loop3A_289 = arith.constant 17 : i32
          %parallel_loop3A_290 = vector.broadcast %parallel_loop3A_289 : i32 to vector<16xi32>
          %parallel_loop3A_291 = arith.muli %parallel_loop3A_288, %parallel_loop3A_290 : vector<16xi32>
          %parallel_loop3A_292 = arith.constant 8 : i32
          %parallel_loop3A_293 = arith.divsi %parallel_loop3A_241, %parallel_loop3A_292 : i32
          %parallel_loop3A_294 = arith.constant 0 : i32
          %parallel_loop3A_295 = arith.cmpi sgt, %parallel_loop3A_241, %parallel_loop3A_294 : i32
          %parallel_loop3A_296 = arith.extui %parallel_loop3A_295 : i1 to i32
          %parallel_loop3A_297 = arith.constant 0 : i32
          %parallel_loop3A_298 = arith.cmpi slt, %parallel_loop3A_241, %parallel_loop3A_297 : i32
          %parallel_loop3A_299 = arith.extui %parallel_loop3A_298 : i1 to i32
          %parallel_loop3A_300 = arith.subi %parallel_loop3A_296, %parallel_loop3A_299 : i32
          %parallel_loop3A_301 = arith.constant 0 : i32
          %parallel_loop3A_302 = arith.cmpi sgt, %parallel_loop3A_292, %parallel_loop3A_301 : i32
          %parallel_loop3A_303 = arith.extui %parallel_loop3A_302 : i1 to i32
          %parallel_loop3A_304 = arith.constant 0 : i32
          %parallel_loop3A_305 = arith.cmpi slt, %parallel_loop3A_292, %parallel_loop3A_304 : i32
          %parallel_loop3A_306 = arith.extui %parallel_loop3A_305 : i1 to i32
          %parallel_loop3A_307 = arith.subi %parallel_loop3A_303, %parallel_loop3A_306 : i32
          %parallel_loop3A_308 = arith.cmpi ne, %parallel_loop3A_300, %parallel_loop3A_307 : i32
          %parallel_loop3A_309 = arith.remsi %parallel_loop3A_241, %parallel_loop3A_292 : i32
          %parallel_loop3A_310 = arith.constant 0 : i32
          %parallel_loop3A_311 = arith.cmpi ne, %parallel_loop3A_309, %parallel_loop3A_310 : i32
          %parallel_loop3A_312 = arith.andi %parallel_loop3A_308, %parallel_loop3A_311 : i1
          %parallel_loop3A_313 = arith.constant 1 : i32
          %parallel_loop3A_314 = arith.subi %parallel_loop3A_293, %parallel_loop3A_313 : i32
          %parallel_loop3A_315 = arith.select %parallel_loop3A_312, %parallel_loop3A_314, %parallel_loop3A_293 : i32
          %parallel_loop3A_316 = arith.constant 8 : i32
          %parallel_loop3A_317 = arith.constant 0 : i32
          %parallel_loop3A_318 = arith.cmpi eq, %parallel_loop3A_316, %parallel_loop3A_317 : i32
          %parallel_loop3A_319 = arith.constant 1 : i32
          %parallel_loop3A_320 = arith.select %parallel_loop3A_318, %parallel_loop3A_319, %parallel_loop3A_316 : i32
          %parallel_loop3A_321 = arith.remsi %parallel_loop3A_241, %parallel_loop3A_320 : i32
          %parallel_loop3A_322 = arith.constant 0 : i32
          %parallel_loop3A_323 = arith.cmpi ne, %parallel_loop3A_321, %parallel_loop3A_322 : i32
          %parallel_loop3A_324 = arith.constant 0 : i32
          %parallel_loop3A_325 = arith.cmpi slt, %parallel_loop3A_321, %parallel_loop3A_324 : i32
          %parallel_loop3A_326 = arith.constant 0 : i32
          %parallel_loop3A_327 = arith.cmpi slt, %parallel_loop3A_320, %parallel_loop3A_326 : i32
          %parallel_loop3A_328 = arith.xori %parallel_loop3A_325, %parallel_loop3A_327 : i1
          %parallel_loop3A_329 = arith.andi %parallel_loop3A_328, %parallel_loop3A_323 : i1
          %parallel_loop3A_330 = arith.addi %parallel_loop3A_321, %parallel_loop3A_320 : i32
          %parallel_loop3A_331 = arith.select %parallel_loop3A_329, %parallel_loop3A_330, %parallel_loop3A_321 : i32
          %parallel_loop3A_332 = arith.constant 16 : i32
          %parallel_loop3A_333 = arith.muli %parallel_loop3A_331, %parallel_loop3A_332 : i32
          %parallel_loop3A_334 = arith.addi %parallel_loop3A_291, %broadcast_in_dim3A_3 : vector<16xi32>
          %parallel_loop3A_335 = tpu.vector_load_idx %arg5[%parallel_loop3A_334] : memref<85000xf32, #tpu.memory_space<vmem>>[vector<16xi32>], vector<16xf32>,
          %parallel_loop3A_336 = arith.constant 1 : i32
          %parallel_loop3A_337 = arith.constant 0 : i32
          %parallel_loop3A_338 = arith.constant 0 : i32
          %parallel_loop3A_339 = arith.index_cast %parallel_loop3A_336 : i32 to index
          %parallel_loop3A_340 = arith.index_cast %parallel_loop3A_337 : i32 to index
          %parallel_loop3A_341 = arith.index_cast %parallel_loop3A_315 : i32 to index
          %parallel_loop3A_342 = arith.index_cast %parallel_loop3A_338 : i32 to index
          %parallel_loop3A_343 = arith.index_cast %parallel_loop3A_333 : i32 to index
          %parallel_loop3A_344 = tpu.vector_load %arg7[%parallel_loop3A_339, %parallel_loop3A_340, %parallel_loop3A_341, %parallel_loop3A_342, %parallel_loop3A_343] {strides = array<i32>} : memref<2x2x4x8x128xf32, #tpu.memory_space<vmem>>, vector<16xf32>,
          tpu.vector_store %arg7[%parallel_loop3A_339, %parallel_loop3A_340, %parallel_loop3A_341, %parallel_loop3A_342, %parallel_loop3A_343], %parallel_loop3A_335 {strides = array<i32>} : memref<2x2x4x8x128xf32, #tpu.memory_space<vmem>>, vector<16xf32>,
          %parallel_loop3A_345 = arith.addi %parallel_loop3A_291, %broadcast_in_dim3A_5 : vector<16xi32>
          %parallel_loop3A_346 = tpu.vector_load_idx %arg5[%parallel_loop3A_345] : memref<85000xf32, #tpu.memory_space<vmem>>[vector<16xi32>], vector<16xf32>,
          %parallel_loop3A_347 = arith.constant 1 : i32
          %parallel_loop3A_348 = arith.constant 0 : i32
          %parallel_loop3A_349 = arith.constant 1 : i32
          %parallel_loop3A_350 = arith.index_cast %parallel_loop3A_347 : i32 to index
          %parallel_loop3A_351 = arith.index_cast %parallel_loop3A_348 : i32 to index
          %parallel_loop3A_352 = arith.index_cast %parallel_loop3A_315 : i32 to index
          %parallel_loop3A_353 = arith.index_cast %parallel_loop3A_349 : i32 to index
          %parallel_loop3A_354 = arith.index_cast %parallel_loop3A_333 : i32 to index
          %parallel_loop3A_355 = tpu.vector_load %arg7[%parallel_loop3A_350, %parallel_loop3A_351, %parallel_loop3A_352, %parallel_loop3A_353, %parallel_loop3A_354] {strides = array<i32>} : memref<2x2x4x8x128xf32, #tpu.memory_space<vmem>>, vector<16xf32>,
          tpu.vector_store %arg7[%parallel_loop3A_350, %parallel_loop3A_351, %parallel_loop3A_352, %parallel_loop3A_353, %parallel_loop3A_354], %parallel_loop3A_346 {strides = array<i32>} : memref<2x2x4x8x128xf32, #tpu.memory_space<vmem>>, vector<16xf32>,
          %parallel_loop3A_356 = arith.addi %parallel_loop3A_291, %broadcast_in_dim3A_7 : vector<16xi32>
          %parallel_loop3A_357 = tpu.vector_load_idx %arg5[%parallel_loop3A_356] : memref<85000xf32, #tpu.memory_space<vmem>>[vector<16xi32>], vector<16xf32>,
          %parallel_loop3A_358 = arith.constant 1 : i32
          %parallel_loop3A_359 = arith.constant 0 : i32
          %parallel_loop3A_360 = arith.constant 2 : i32
          %parallel_loop3A_361 = arith.index_cast %parallel_loop3A_358 : i32 to index
          %parallel_loop3A_362 = arith.index_cast %parallel_loop3A_359 : i32 to index
          %parallel_loop3A_363 = arith.index_cast %parallel_loop3A_315 : i32 to index
          %parallel_loop3A_364 = arith.index_cast %parallel_loop3A_360 : i32 to index
          %parallel_loop3A_365 = arith.index_cast %parallel_loop3A_333 : i32 to index
          %parallel_loop3A_366 = tpu.vector_load %arg7[%parallel_loop3A_361, %parallel_loop3A_362, %parallel_loop3A_363, %parallel_loop3A_364, %parallel_loop3A_365] {strides = array<i32>} : memref<2x2x4x8x128xf32, #tpu.memory_space<vmem>>, vector<16xf32>,
          tpu.vector_store %arg7[%parallel_loop3A_361, %parallel_loop3A_362, %parallel_loop3A_363, %parallel_loop3A_364, %parallel_loop3A_365], %parallel_loop3A_357 {strides = array<i32>} : memref<2x2x4x8x128xf32, #tpu.memory_space<vmem>>, vector<16xf32>,
          %parallel_loop3A_367 = arith.addi %parallel_loop3A_291, %broadcast_in_dim3A_9 : vector<16xi32>
          %parallel_loop3A_368 = tpu.vector_load_idx %arg5[%parallel_loop3A_367] : memref<85000xf32, #tpu.memory_space<vmem>>[vector<16xi32>], vector<16xf32>,
          %parallel_loop3A_369 = arith.constant 1 : i32
          %parallel_loop3A_370 = arith.constant 0 : i32
          %parallel_loop3A_371 = arith.constant 3 : i32
          %parallel_loop3A_372 = arith.index_cast %parallel_loop3A_369 : i32 to index
          %parallel_loop3A_373 = arith.index_cast %parallel_loop3A_370 : i32 to index
          %parallel_loop3A_374 = arith.index_cast %parallel_loop3A_315 : i32 to index
          %parallel_loop3A_375 = arith.index_cast %parallel_loop3A_371 : i32 to index
          %parallel_loop3A_376 = arith.index_cast %parallel_loop3A_333 : i32 to index
          %parallel_loop3A_377 = tpu.vector_load %arg7[%parallel_loop3A_372, %parallel_loop3A_373, %parallel_loop3A_374, %parallel_loop3A_375, %parallel_loop3A_376] {strides = array<i32>} : memref<2x2x4x8x128xf32, #tpu.memory_space<vmem>>, vector<16xf32>,
          tpu.vector_store %arg7[%parallel_loop3A_372, %parallel_loop3A_373, %parallel_loop3A_374, %parallel_loop3A_375, %parallel_loop3A_376], %parallel_loop3A_368 {strides = array<i32>} : memref<2x2x4x8x128xf32, #tpu.memory_space<vmem>>, vector<16xf32>,
          %parallel_loop3A_378 = arith.addi %parallel_loop3A_291, %broadcast_in_dim3A_11 : vector<16xi32>
          %parallel_loop3A_379 = tpu.vector_load_idx %arg5[%parallel_loop3A_378] : memref<85000xf32, #tpu.memory_space<vmem>>[vector<16xi32>], vector<16xf32>,
          %parallel_loop3A_380 = arith.constant 1 : i32
          %parallel_loop3A_381 = arith.constant 0 : i32
          %parallel_loop3A_382 = arith.constant 4 : i32
          %parallel_loop3A_383 = arith.index_cast %parallel_loop3A_380 : i32 to index
          %parallel_loop3A_384 = arith.index_cast %parallel_loop3A_381 : i32 to index
          %parallel_loop3A_385 = arith.index_cast %parallel_loop3A_315 : i32 to index
          %parallel_loop3A_386 = arith.index_cast %parallel_loop3A_382 : i32 to index
          %parallel_loop3A_387 = arith.index_cast %parallel_loop3A_333 : i32 to index
          %parallel_loop3A_388 = tpu.vector_load %arg7[%parallel_loop3A_383, %parallel_loop3A_384, %parallel_loop3A_385, %parallel_loop3A_386, %parallel_loop3A_387] {strides = array<i32>} : memref<2x2x4x8x128xf32, #tpu.memory_space<vmem>>, vector<16xf32>,
          tpu.vector_store %arg7[%parallel_loop3A_383, %parallel_loop3A_384, %parallel_loop3A_385, %parallel_loop3A_386, %parallel_loop3A_387], %parallel_loop3A_379 {strides = array<i32>} : memref<2x2x4x8x128xf32, #tpu.memory_space<vmem>>, vector<16xf32>,
          %parallel_loop3A_389 = arith.addi %parallel_loop3A_291, %broadcast_in_dim3A_13 : vector<16xi32>
          %parallel_loop3A_390 = tpu.vector_load_idx %arg5[%parallel_loop3A_389] : memref<85000xf32, #tpu.memory_space<vmem>>[vector<16xi32>], vector<16xf32>,
          %parallel_loop3A_391 = arith.constant 1 : i32
          %parallel_loop3A_392 = arith.constant 0 : i32
          %parallel_loop3A_393 = arith.constant 5 : i32
          %parallel_loop3A_394 = arith.index_cast %parallel_loop3A_391 : i32 to index
          %parallel_loop3A_395 = arith.index_cast %parallel_loop3A_392 : i32 to index
          %parallel_loop3A_396 = arith.index_cast %parallel_loop3A_315 : i32 to index
          %parallel_loop3A_397 = arith.index_cast %parallel_loop3A_393 : i32 to index
          %parallel_loop3A_398 = arith.index_cast %parallel_loop3A_333 : i32 to index
          %parallel_loop3A_399 = tpu.vector_load %arg7[%parallel_loop3A_394, %parallel_loop3A_395, %parallel_loop3A_396, %parallel_loop3A_397, %parallel_loop3A_398] {strides = array<i32>} : memref<2x2x4x8x128xf32, #tpu.memory_space<vmem>>, vector<16xf32>,
          tpu.vector_store %arg7[%parallel_loop3A_394, %parallel_loop3A_395, %parallel_loop3A_396, %parallel_loop3A_397, %parallel_loop3A_398], %parallel_loop3A_390 {strides = array<i32>} : memref<2x2x4x8x128xf32, #tpu.memory_space<vmem>>, vector<16xf32>,
          %parallel_loop3A_400 = arith.addi %parallel_loop3A_291, %broadcast_in_dim3A_15 : vector<16xi32>
          %parallel_loop3A_401 = tpu.vector_load_idx %arg5[%parallel_loop3A_400] : memref<85000xf32, #tpu.memory_space<vmem>>[vector<16xi32>], vector<16xf32>,
          %parallel_loop3A_402 = arith.constant 1 : i32
          %parallel_loop3A_403 = arith.constant 0 : i32
          %parallel_loop3A_404 = arith.constant 6 : i32
          %parallel_loop3A_405 = arith.index_cast %parallel_loop3A_402 : i32 to index
          %parallel_loop3A_406 = arith.index_cast %parallel_loop3A_403 : i32 to index
          %parallel_loop3A_407 = arith.index_cast %parallel_loop3A_315 : i32 to index
          %parallel_loop3A_408 = arith.index_cast %parallel_loop3A_404 : i32 to index
          %parallel_loop3A_409 = arith.index_cast %parallel_loop3A_333 : i32 to index
          %parallel_loop3A_410 = tpu.vector_load %arg7[%parallel_loop3A_405, %parallel_loop3A_406, %parallel_loop3A_407, %parallel_loop3A_408, %parallel_loop3A_409] {strides = array<i32>} : memref<2x2x4x8x128xf32, #tpu.memory_space<vmem>>, vector<16xf32>,
          tpu.vector_store %arg7[%parallel_loop3A_405, %parallel_loop3A_406, %parallel_loop3A_407, %parallel_loop3A_408, %parallel_loop3A_409], %parallel_loop3A_401 {strides = array<i32>} : memref<2x2x4x8x128xf32, #tpu.memory_space<vmem>>, vector<16xf32>,
          %parallel_loop3A_411 = arith.addi %parallel_loop3A_291, %broadcast_in_dim3A_17 : vector<16xi32>
          %parallel_loop3A_412 = tpu.vector_load_idx %arg5[%parallel_loop3A_411] : memref<85000xf32, #tpu.memory_space<vmem>>[vector<16xi32>], vector<16xf32>,
          %parallel_loop3A_413 = arith.constant 1 : i32
          %parallel_loop3A_414 = arith.constant 0 : i32
          %parallel_loop3A_415 = arith.constant 7 : i32
          %parallel_loop3A_416 = arith.index_cast %parallel_loop3A_413 : i32 to index
          %parallel_loop3A_417 = arith.index_cast %parallel_loop3A_414 : i32 to index
          %parallel_loop3A_418 = arith.index_cast %parallel_loop3A_315 : i32 to index
          %parallel_loop3A_419 = arith.index_cast %parallel_loop3A_415 : i32 to index
          %parallel_loop3A_420 = arith.index_cast %parallel_loop3A_333 : i32 to index
          %parallel_loop3A_421 = tpu.vector_load %arg7[%parallel_loop3A_416, %parallel_loop3A_417, %parallel_loop3A_418, %parallel_loop3A_419, %parallel_loop3A_420] {strides = array<i32>} : memref<2x2x4x8x128xf32, #tpu.memory_space<vmem>>, vector<16xf32>,
          tpu.vector_store %arg7[%parallel_loop3A_416, %parallel_loop3A_417, %parallel_loop3A_418, %parallel_loop3A_419, %parallel_loop3A_420], %parallel_loop3A_412 {strides = array<i32>} : memref<2x2x4x8x128xf32, #tpu.memory_space<vmem>>, vector<16xf32>,
          %parallel_loop3A_422 = arith.addi %parallel_loop3A_291, %broadcast_in_dim3A_19 : vector<16xi32>
          %parallel_loop3A_423 = tpu.vector_load_idx %arg5[%parallel_loop3A_422] : memref<85000xf32, #tpu.memory_space<vmem>>[vector<16xi32>], vector<16xf32>,
          %parallel_loop3A_424 = arith.constant 1 : i32
          %parallel_loop3A_425 = arith.constant 1 : i32
          %parallel_loop3A_426 = arith.constant 0 : i32
          %parallel_loop3A_427 = arith.index_cast %parallel_loop3A_424 : i32 to index
          %parallel_loop3A_428 = arith.index_cast %parallel_loop3A_425 : i32 to index
          %parallel_loop3A_429 = arith.index_cast %parallel_loop3A_315 : i32 to index
          %parallel_loop3A_430 = arith.index_cast %parallel_loop3A_426 : i32 to index
          %parallel_loop3A_431 = arith.index_cast %parallel_loop3A_333 : i32 to index
          %parallel_loop3A_432 = tpu.vector_load %arg7[%parallel_loop3A_427, %parallel_loop3A_428, %parallel_loop3A_429, %parallel_loop3A_430, %parallel_loop3A_431] {strides = array<i32>} : memref<2x2x4x8x128xf32, #tpu.memory_space<vmem>>, vector<16xf32>,
          tpu.vector_store %arg7[%parallel_loop3A_427, %parallel_loop3A_428, %parallel_loop3A_429, %parallel_loop3A_430, %parallel_loop3A_431], %parallel_loop3A_423 {strides = array<i32>} : memref<2x2x4x8x128xf32, #tpu.memory_space<vmem>>, vector<16xf32>,
          %parallel_loop3A_433 = arith.addi %parallel_loop3A_291, %broadcast_in_dim3A_21 : vector<16xi32>
          %parallel_loop3A_434 = tpu.vector_load_idx %arg5[%parallel_loop3A_433] : memref<85000xf32, #tpu.memory_space<vmem>>[vector<16xi32>], vector<16xf32>,
          %parallel_loop3A_435 = arith.constant 1 : i32
          %parallel_loop3A_436 = arith.constant 1 : i32
          %parallel_loop3A_437 = arith.constant 1 : i32
          %parallel_loop3A_438 = arith.index_cast %parallel_loop3A_435 : i32 to index
          %parallel_loop3A_439 = arith.index_cast %parallel_loop3A_436 : i32 to index
          %parallel_loop3A_440 = arith.index_cast %parallel_loop3A_315 : i32 to index
          %parallel_loop3A_441 = arith.index_cast %parallel_loop3A_437 : i32 to index
          %parallel_loop3A_442 = arith.index_cast %parallel_loop3A_333 : i32 to index
          %parallel_loop3A_443 = tpu.vector_load %arg7[%parallel_loop3A_438, %parallel_loop3A_439, %parallel_loop3A_440, %parallel_loop3A_441, %parallel_loop3A_442] {strides = array<i32>} : memref<2x2x4x8x128xf32, #tpu.memory_space<vmem>>, vector<16xf32>,
          tpu.vector_store %arg7[%parallel_loop3A_438, %parallel_loop3A_439, %parallel_loop3A_440, %parallel_loop3A_441, %parallel_loop3A_442], %parallel_loop3A_434 {strides = array<i32>} : memref<2x2x4x8x128xf32, #tpu.memory_space<vmem>>, vector<16xf32>,
          %parallel_loop3A_444 = arith.addi %parallel_loop3A_291, %broadcast_in_dim3A_23 : vector<16xi32>
          %parallel_loop3A_445 = tpu.vector_load_idx %arg5[%parallel_loop3A_444] : memref<85000xf32, #tpu.memory_space<vmem>>[vector<16xi32>], vector<16xf32>,
          %parallel_loop3A_446 = arith.constant 1 : i32
          %parallel_loop3A_447 = arith.constant 1 : i32
          %parallel_loop3A_448 = arith.constant 2 : i32
          %parallel_loop3A_449 = arith.index_cast %parallel_loop3A_446 : i32 to index
          %parallel_loop3A_450 = arith.index_cast %parallel_loop3A_447 : i32 to index
          %parallel_loop3A_451 = arith.index_cast %parallel_loop3A_315 : i32 to index
          %parallel_loop3A_452 = arith.index_cast %parallel_loop3A_448 : i32 to index
          %parallel_loop3A_453 = arith.index_cast %parallel_loop3A_333 : i32 to index
          %parallel_loop3A_454 = tpu.vector_load %arg7[%parallel_loop3A_449, %parallel_loop3A_450, %parallel_loop3A_451, %parallel_loop3A_452, %parallel_loop3A_453] {strides = array<i32>} : memref<2x2x4x8x128xf32, #tpu.memory_space<vmem>>, vector<16xf32>,
          tpu.vector_store %arg7[%parallel_loop3A_449, %parallel_loop3A_450, %parallel_loop3A_451, %parallel_loop3A_452, %parallel_loop3A_453], %parallel_loop3A_445 {strides = array<i32>} : memref<2x2x4x8x128xf32, #tpu.memory_space<vmem>>, vector<16xf32>,
          %parallel_loop3A_455 = arith.addi %parallel_loop3A_291, %broadcast_in_dim3A_25 : vector<16xi32>
          %parallel_loop3A_456 = tpu.vector_load_idx %arg5[%parallel_loop3A_455] : memref<85000xf32, #tpu.memory_space<vmem>>[vector<16xi32>], vector<16xf32>,
          %parallel_loop3A_457 = arith.constant 1 : i32
          %parallel_loop3A_458 = arith.constant 1 : i32
          %parallel_loop3A_459 = arith.constant 3 : i32
          %parallel_loop3A_460 = arith.index_cast %parallel_loop3A_457 : i32 to index
          %parallel_loop3A_461 = arith.index_cast %parallel_loop3A_458 : i32 to index
          %parallel_loop3A_462 = arith.index_cast %parallel_loop3A_315 : i32 to index
          %parallel_loop3A_463 = arith.index_cast %parallel_loop3A_459 : i32 to index
          %parallel_loop3A_464 = arith.index_cast %parallel_loop3A_333 : i32 to index
          %parallel_loop3A_465 = tpu.vector_load %arg7[%parallel_loop3A_460, %parallel_loop3A_461, %parallel_loop3A_462, %parallel_loop3A_463, %parallel_loop3A_464] {strides = array<i32>} : memref<2x2x4x8x128xf32, #tpu.memory_space<vmem>>, vector<16xf32>,
          tpu.vector_store %arg7[%parallel_loop3A_460, %parallel_loop3A_461, %parallel_loop3A_462, %parallel_loop3A_463, %parallel_loop3A_464], %parallel_loop3A_456 {strides = array<i32>} : memref<2x2x4x8x128xf32, #tpu.memory_space<vmem>>, vector<16xf32>,
          %parallel_loop3A_466 = arith.addi %parallel_loop3A_291, %broadcast_in_dim3A_27 : vector<16xi32>
          %parallel_loop3A_467 = tpu.vector_load_idx %arg5[%parallel_loop3A_466] : memref<85000xf32, #tpu.memory_space<vmem>>[vector<16xi32>], vector<16xf32>,
          %parallel_loop3A_468 = arith.constant 1 : i32
          %parallel_loop3A_469 = arith.constant 1 : i32
          %parallel_loop3A_470 = arith.constant 4 : i32
          %parallel_loop3A_471 = arith.index_cast %parallel_loop3A_468 : i32 to index
          %parallel_loop3A_472 = arith.index_cast %parallel_loop3A_469 : i32 to index
          %parallel_loop3A_473 = arith.index_cast %parallel_loop3A_315 : i32 to index
          %parallel_loop3A_474 = arith.index_cast %parallel_loop3A_470 : i32 to index
          %parallel_loop3A_475 = arith.index_cast %parallel_loop3A_333 : i32 to index
          %parallel_loop3A_476 = tpu.vector_load %arg7[%parallel_loop3A_471, %parallel_loop3A_472, %parallel_loop3A_473, %parallel_loop3A_474, %parallel_loop3A_475] {strides = array<i32>} : memref<2x2x4x8x128xf32, #tpu.memory_space<vmem>>, vector<16xf32>,
          tpu.vector_store %arg7[%parallel_loop3A_471, %parallel_loop3A_472, %parallel_loop3A_473, %parallel_loop3A_474, %parallel_loop3A_475], %parallel_loop3A_467 {strides = array<i32>} : memref<2x2x4x8x128xf32, #tpu.memory_space<vmem>>, vector<16xf32>,
          %parallel_loop3A_477 = arith.addi %parallel_loop3A_291, %broadcast_in_dim3A_29 : vector<16xi32>
          %parallel_loop3A_478 = tpu.vector_load_idx %arg5[%parallel_loop3A_477] : memref<85000xf32, #tpu.memory_space<vmem>>[vector<16xi32>], vector<16xf32>,
          %parallel_loop3A_479 = arith.constant 1 : i32
          %parallel_loop3A_480 = arith.constant 1 : i32
          %parallel_loop3A_481 = arith.constant 5 : i32
          %parallel_loop3A_482 = arith.index_cast %parallel_loop3A_479 : i32 to index
          %parallel_loop3A_483 = arith.index_cast %parallel_loop3A_480 : i32 to index
          %parallel_loop3A_484 = arith.index_cast %parallel_loop3A_315 : i32 to index
          %parallel_loop3A_485 = arith.index_cast %parallel_loop3A_481 : i32 to index
          %parallel_loop3A_486 = arith.index_cast %parallel_loop3A_333 : i32 to index
          %parallel_loop3A_487 = tpu.vector_load %arg7[%parallel_loop3A_482, %parallel_loop3A_483, %parallel_loop3A_484, %parallel_loop3A_485, %parallel_loop3A_486] {strides = array<i32>} : memref<2x2x4x8x128xf32, #tpu.memory_space<vmem>>, vector<16xf32>,
          tpu.vector_store %arg7[%parallel_loop3A_482, %parallel_loop3A_483, %parallel_loop3A_484, %parallel_loop3A_485, %parallel_loop3A_486], %parallel_loop3A_478 {strides = array<i32>} : memref<2x2x4x8x128xf32, #tpu.memory_space<vmem>>, vector<16xf32>,
          %parallel_loop3A_488 = arith.addi %parallel_loop3A_291, %broadcast_in_dim3A_31 : vector<16xi32>
          %parallel_loop3A_489 = tpu.vector_load_idx %arg5[%parallel_loop3A_488] : memref<85000xf32, #tpu.memory_space<vmem>>[vector<16xi32>], vector<16xf32>,
          %parallel_loop3A_490 = arith.constant 1 : i32
          %parallel_loop3A_491 = arith.constant 1 : i32
          %parallel_loop3A_492 = arith.constant 6 : i32
          %parallel_loop3A_493 = arith.index_cast %parallel_loop3A_490 : i32 to index
          %parallel_loop3A_494 = arith.index_cast %parallel_loop3A_491 : i32 to index
          %parallel_loop3A_495 = arith.index_cast %parallel_loop3A_315 : i32 to index
          %parallel_loop3A_496 = arith.index_cast %parallel_loop3A_492 : i32 to index
          %parallel_loop3A_497 = arith.index_cast %parallel_loop3A_333 : i32 to index
          %parallel_loop3A_498 = tpu.vector_load %arg7[%parallel_loop3A_493, %parallel_loop3A_494, %parallel_loop3A_495, %parallel_loop3A_496, %parallel_loop3A_497] {strides = array<i32>} : memref<2x2x4x8x128xf32, #tpu.memory_space<vmem>>, vector<16xf32>,
          tpu.vector_store %arg7[%parallel_loop3A_493, %parallel_loop3A_494, %parallel_loop3A_495, %parallel_loop3A_496, %parallel_loop3A_497], %parallel_loop3A_489 {strides = array<i32>} : memref<2x2x4x8x128xf32, #tpu.memory_space<vmem>>, vector<16xf32>,
          %parallel_loop3A_499 = arith.addi %parallel_loop3A_291, %broadcast_in_dim3A_33 : vector<16xi32>
          %parallel_loop3A_500 = tpu.vector_load_idx %arg5[%parallel_loop3A_499] : memref<85000xf32, #tpu.memory_space<vmem>>[vector<16xi32>], vector<16xf32>,
          %parallel_loop3A_501 = arith.constant 1 : i32
          %parallel_loop3A_502 = arith.constant 1 : i32
          %parallel_loop3A_503 = arith.constant 7 : i32
          %parallel_loop3A_504 = arith.index_cast %parallel_loop3A_501 : i32 to index
          %parallel_loop3A_505 = arith.index_cast %parallel_loop3A_502 : i32 to index
          %parallel_loop3A_506 = arith.index_cast %parallel_loop3A_315 : i32 to index
          %parallel_loop3A_507 = arith.index_cast %parallel_loop3A_503 : i32 to index
          %parallel_loop3A_508 = arith.index_cast %parallel_loop3A_333 : i32 to index
          %parallel_loop3A_509 = tpu.vector_load %arg7[%parallel_loop3A_504, %parallel_loop3A_505, %parallel_loop3A_506, %parallel_loop3A_507, %parallel_loop3A_508] {strides = array<i32>} : memref<2x2x4x8x128xf32, #tpu.memory_space<vmem>>, vector<16xf32>,
          tpu.vector_store %arg7[%parallel_loop3A_504, %parallel_loop3A_505, %parallel_loop3A_506, %parallel_loop3A_507, %parallel_loop3A_508], %parallel_loop3A_500 {strides = array<i32>} : memref<2x2x4x8x128xf32, #tpu.memory_space<vmem>>, vector<16xf32>,
        } {sc.loop_unroll_factor = 2 : i64, sc.parallel_access}
        %dma_start3A_218 = arith.constant 1 : i32
        %dma_start3A_219 = arith.constant 0 : i32
        %dma_start3A_220 = arith.constant 0 : i32
        %dma_start3A_221 = arith.constant 0 : i32
        %dma_start3A_222 = arith.constant 0 : i32
        %dma_start3A_223 = tpu.memref_slice %arg7[%dma_start3A_218, %dma_start3A_219, %dma_start3A_220, %dma_start3A_221, %dma_start3A_222] : memref<2x2x4x8x128xf32, #tpu.memory_space<vmem>> -> memref<1x2x4x8x128xf32, #tpu.memory_space<vmem>>
        %dma_start3A_224 = tpu.memref_squeeze %dma_start3A_223 : memref<1x2x4x8x128xf32, #tpu.memory_space<vmem>> -> memref<2x4x8x128xf32, #tpu.memory_space<vmem>>
        %dma_start3A_225 = arith.constant 0 : i32
        %dma_start3A_226 = arith.constant 0 : i32
        %dma_start3A_227 = arith.constant 0 : i32
        %dma_start3A_228 = tpu.memref_slice %arg4[%add3A_209, %dma_start3A_225, %mul3A_2, %dma_start3A_226, %dma_start3A_227] : memref<200x2x128x8x128xf32, #tpu.memory_space<hbm>> -> memref<1x2x4x8x128xf32, #tpu.memory_space<hbm>>
        %dma_start3A_229 = tpu.memref_squeeze %dma_start3A_228 : memref<1x2x4x8x128xf32, #tpu.memory_space<hbm>> -> memref<2x4x8x128xf32, #tpu.memory_space<hbm>>
        %dma_start3A_230 = arith.constant 0 : i32
        %dma_start3A_231 = arith.constant 0 : i32
        %dma_start3A_232 = arith.constant 0 : i32
        %dma_start3A_233 = tpu.memref_slice %arg4[%add3A_209, %dma_start3A_230, %mul3A_2, %dma_start3A_231, %dma_start3A_232] : memref<200x2x128x8x128xf32, #tpu.memory_space<hbm>> -> memref<1x2x4x8x128xf32, #tpu.memory_space<hbm>>
        %dma_start3A_234 = tpu.memref_squeeze %dma_start3A_233 : memref<1x2x4x8x128xf32, #tpu.memory_space<hbm>> -> memref<2x4x8x128xf32, #tpu.memory_space<hbm>>
        %dma_start3A_235 = arith.constant 0 : i32
        %dma_start3A_236 = arith.constant 0 : i32
        %dma_start3A_237 = arith.constant 0 : i32
        %dma_start3A_238 = arith.constant 0 : i32
        %dma_start3A_239 = tpu.memref_slice %arg7[%dma_start3A_218, %dma_start3A_235, %dma_start3A_236, %dma_start3A_237, %dma_start3A_238] : memref<2x2x4x8x128xf32, #tpu.memory_space<vmem>> -> memref<1x2x4x8x128xf32, #tpu.memory_space<vmem>>
        %dma_start3A_240 = tpu.memref_squeeze %dma_start3A_239 : memref<1x2x4x8x128xf32, #tpu.memory_space<vmem>> -> memref<2x4x8x128xf32, #tpu.memory_space<vmem>>
        tpu.enqueue_dma source(%dma_start3A_240 : memref<2x4x8x128xf32, #tpu.memory_space<vmem>>) target(%dma_start3A_234 : memref<2x4x8x128xf32, #tpu.memory_space<hbm>>) target_semaphore(%arg8 : memref<!tpu.dma_semaphore, #tpu.memory_space<semaphore_mem>>)
      }
      %scan3A_160 = arith.constant 4 : i32
      %add3A_161 = arith.constant 2 : i32
      %add3A_162 = arith.addi %add3A_128, %add3A_161 : i32
      %lt3A_163 = arith.constant 25 : i32
      %lt3A_164 = arith.cmpi slt, %add3A_162, %lt3A_163 : i32
      %convert_element_type3A = arith.extui %lt3A_164 : i1 to i32
      %cond3A = arith.constant 0 : i32
      %cond3A_165 = arith.cmpi ne, %convert_element_type3A, %cond3A : i32
      scf.if %cond3A_165 {
        %add3A_166 = arith.constant 2 : i32
        %add3A_167 = arith.addi %add3A_128, %add3A_166 : i32
        %dma_start3A_168 = arith.constant 0 : i32
        %dma_start3A_169 = arith.constant 0 : i32
        %dma_start3A_170 = arith.constant 0 : i32
        %dma_start3A_171 = tpu.memref_slice %arg6[%select_n3A_137, %dma_start3A_168, %dma_start3A_169, %dma_start3A_170] : memref<2x4x8x128xi32, #tpu.memory_space<vmem>> -> memref<1x4x8x128xi32, #tpu.memory_space<vmem>>
        %dma_start3A_172 = tpu.memref_squeeze %dma_start3A_171 : memref<1x4x8x128xi32, #tpu.memory_space<vmem>> -> memref<4x8x128xi32, #tpu.memory_space<vmem>>
        %dma_start3A_173 = arith.constant 0 : i32
        %dma_start3A_174 = arith.constant 0 : i32
        %dma_start3A_175 = tpu.memref_slice %arg3[%add3A_167, %mul3A_2, %dma_start3A_173, %dma_start3A_174] : memref<25x128x8x128xi32, #tpu.memory_space<hbm>> -> memref<1x4x8x128xi32, #tpu.memory_space<hbm>>
        %dma_start3A_176 = tpu.memref_squeeze %dma_start3A_175 : memref<1x4x8x128xi32, #tpu.memory_space<hbm>> -> memref<4x8x128xi32, #tpu.memory_space<hbm>>
        %dma_start3A_177 = arith.constant 0 : i32
        %dma_start3A_178 = arith.constant 0 : i32
        %dma_start3A_179 = arith.constant 0 : i32
        %dma_start3A_180 = tpu.memref_slice %arg6[%select_n3A_137, %dma_start3A_177, %dma_start3A_178, %dma_start3A_179] : memref<2x4x8x128xi32, #tpu.memory_space<vmem>> -> memref<1x4x8x128xi32, #tpu.memory_space<vmem>>
        %dma_start3A_181 = tpu.memref_squeeze %dma_start3A_180 : memref<1x4x8x128xi32, #tpu.memory_space<vmem>> -> memref<4x8x128xi32, #tpu.memory_space<vmem>>
        %dma_start3A_182 = arith.constant 0 : i32
        %dma_start3A_183 = arith.constant 0 : i32
        %dma_start3A_184 = tpu.memref_slice %arg3[%add3A_167, %mul3A_2, %dma_start3A_182, %dma_start3A_183] : memref<25x128x8x128xi32, #tpu.memory_space<hbm>> -> memref<1x4x8x128xi32, #tpu.memory_space<hbm>>
        %dma_start3A_185 = tpu.memref_squeeze %dma_start3A_184 : memref<1x4x8x128xi32, #tpu.memory_space<hbm>> -> memref<4x8x128xi32, #tpu.memory_space<hbm>>
        tpu.enqueue_dma source(%dma_start3A_185 : memref<4x8x128xi32, #tpu.memory_space<hbm>>) target(%dma_start3A_181 : memref<4x8x128xi32, #tpu.memory_space<vmem>>) target_semaphore(%arg9 : memref<!tpu.dma_semaphore, #tpu.memory_space<semaphore_mem>>)
      } else {
      }
    }
    %scan3A_76 = arith.constant 25 : i32
    %dma_wait3A = arith.constant 0 : i32
    %dma_wait3A_77 = arith.constant 198 : i32
    %dma_wait3A_78 = arith.constant 0 : i32
    %dma_wait3A_79 = arith.constant 0 : i32
    %dma_wait3A_80 = arith.constant 0 : i32
    %dma_wait3A_81 = arith.constant 0 : i32
    %dma_wait3A_82 = tpu.memref_slice %arg7[%dma_wait3A, %dma_wait3A_78, %dma_wait3A_79, %dma_wait3A_80, %dma_wait3A_81] : memref<2x2x4x8x128xf32, #tpu.memory_space<vmem>> -> memref<1x2x4x8x128xf32, #tpu.memory_space<vmem>>
    %dma_wait3A_83 = tpu.memref_squeeze %dma_wait3A_82 : memref<1x2x4x8x128xf32, #tpu.memory_space<vmem>> -> memref<2x4x8x128xf32, #tpu.memory_space<vmem>>
    %dma_wait3A_84 = arith.constant 0 : i32
    %dma_wait3A_85 = arith.constant 0 : i32
    %dma_wait3A_86 = arith.constant 0 : i32
    %dma_wait3A_87 = tpu.memref_slice %arg4[%dma_wait3A_77, %dma_wait3A_84, %mul3A_2, %dma_wait3A_85, %dma_wait3A_86] : memref<200x2x128x8x128xf32, #tpu.memory_space<hbm>> -> memref<1x2x4x8x128xf32, #tpu.memory_space<hbm>>
    %dma_wait3A_88 = tpu.memref_squeeze %dma_wait3A_87 : memref<1x2x4x8x128xf32, #tpu.memory_space<hbm>> -> memref<2x4x8x128xf32, #tpu.memory_space<hbm>>
    %dma_wait3A_89 = arith.constant 0 : i32
    %dma_wait3A_90 = arith.constant 0 : i32
    %dma_wait3A_91 = arith.constant 0 : i32
    %dma_wait3A_92 = tpu.memref_slice %arg4[%dma_wait3A_77, %dma_wait3A_89, %mul3A_2, %dma_wait3A_90, %dma_wait3A_91] : memref<200x2x128x8x128xf32, #tpu.memory_space<hbm>> -> memref<1x2x4x8x128xf32, #tpu.memory_space<hbm>>
    %dma_wait3A_93 = tpu.memref_squeeze %dma_wait3A_92 : memref<1x2x4x8x128xf32, #tpu.memory_space<hbm>> -> memref<2x4x8x128xf32, #tpu.memory_space<hbm>>
    %dma_wait3A_94 = arith.constant 0 : i32
    %dma_wait3A_95 = arith.constant 0 : i32
    %dma_wait3A_96 = arith.constant 0 : i32
    %dma_wait3A_97 = arith.constant 0 : i32
    %dma_wait3A_98 = tpu.memref_slice %arg7[%dma_wait3A, %dma_wait3A_94, %dma_wait3A_95, %dma_wait3A_96, %dma_wait3A_97] : memref<2x2x4x8x128xf32, #tpu.memory_space<vmem>> -> memref<1x2x4x8x128xf32, #tpu.memory_space<vmem>>
    %dma_wait3A_99 = tpu.memref_squeeze %dma_wait3A_98 : memref<1x2x4x8x128xf32, #tpu.memory_space<vmem>> -> memref<2x4x8x128xf32, #tpu.memory_space<vmem>>
    tpu.wait_dma2 semaphore(%arg8 : memref<!tpu.dma_semaphore, #tpu.memory_space<semaphore_mem>>) src(%dma_wait3A_99 : memref<2x4x8x128xf32, #tpu.memory_space<vmem>>) dst(%dma_wait3A_93 : memref<2x4x8x128xf32, #tpu.memory_space<hbm>>)
    %dma_wait3A_100 = arith.constant 1 : i32
    %dma_wait3A_101 = arith.constant 199 : i32
    %dma_wait3A_102 = arith.constant 0 : i32
    %dma_wait3A_103 = arith.constant 0 : i32
    %dma_wait3A_104 = arith.constant 0 : i32
    %dma_wait3A_105 = arith.constant 0 : i32
    %dma_wait3A_106 = tpu.memref_slice %arg7[%dma_wait3A_100, %dma_wait3A_102, %dma_wait3A_103, %dma_wait3A_104, %dma_wait3A_105] : memref<2x2x4x8x128xf32, #tpu.memory_space<vmem>> -> memref<1x2x4x8x128xf32, #tpu.memory_space<vmem>>
    %dma_wait3A_107 = tpu.memref_squeeze %dma_wait3A_106 : memref<1x2x4x8x128xf32, #tpu.memory_space<vmem>> -> memref<2x4x8x128xf32, #tpu.memory_space<vmem>>
    %dma_wait3A_108 = arith.constant 0 : i32
    %dma_wait3A_109 = arith.constant 0 : i32
    %dma_wait3A_110 = arith.constant 0 : i32
    %dma_wait3A_111 = tpu.memref_slice %arg4[%dma_wait3A_101, %dma_wait3A_108, %mul3A_2, %dma_wait3A_109, %dma_wait3A_110] : memref<200x2x128x8x128xf32, #tpu.memory_space<hbm>> -> memref<1x2x4x8x128xf32, #tpu.memory_space<hbm>>
    %dma_wait3A_112 = tpu.memref_squeeze %dma_wait3A_111 : memref<1x2x4x8x128xf32, #tpu.memory_space<hbm>> -> memref<2x4x8x128xf32, #tpu.memory_space<hbm>>
    %dma_wait3A_113 = arith.constant 0 : i32
    %dma_wait3A_114 = arith.constant 0 : i32
    %dma_wait3A_115 = arith.constant 0 : i32
    %dma_wait3A_116 = tpu.memref_slice %arg4[%dma_wait3A_101, %dma_wait3A_113, %mul3A_2, %dma_wait3A_114, %dma_wait3A_115] : memref<200x2x128x8x128xf32, #tpu.memory_space<hbm>> -> memref<1x2x4x8x128xf32, #tpu.memory_space<hbm>>
    %dma_wait3A_117 = tpu.memref_squeeze %dma_wait3A_116 : memref<1x2x4x8x128xf32, #tpu.memory_space<hbm>> -> memref<2x4x8x128xf32, #tpu.memory_space<hbm>>
    %dma_wait3A_118 = arith.constant 0 : i32
    %dma_wait3A_119 = arith.constant 0 : i32
    %dma_wait3A_120 = arith.constant 0 : i32
    %dma_wait3A_121 = arith.constant 0 : i32
    %dma_wait3A_122 = tpu.memref_slice %arg7[%dma_wait3A_100, %dma_wait3A_118, %dma_wait3A_119, %dma_wait3A_120, %dma_wait3A_121] : memref<2x2x4x8x128xf32, #tpu.memory_space<vmem>> -> memref<1x2x4x8x128xf32, #tpu.memory_space<vmem>>
    %dma_wait3A_123 = tpu.memref_squeeze %dma_wait3A_122 : memref<1x2x4x8x128xf32, #tpu.memory_space<vmem>> -> memref<2x4x8x128xf32, #tpu.memory_space<vmem>>
    tpu.wait_dma2 semaphore(%arg8 : memref<!tpu.dma_semaphore, #tpu.memory_space<semaphore_mem>>) src(%dma_wait3A_123 : memref<2x4x8x128xf32, #tpu.memory_space<vmem>>) dst(%dma_wait3A_117 : memref<2x4x8x128xf32, #tpu.memory_space<hbm>>)
    return
  }
}

</mosaic_0001>

<sc_bundles>
// kernel: kernel.3.cloned.1.call-start
scs
__scs_entry_jumppad:
0x0: {  	(pc) =	sbr.rel $0x88, $3  }
0x1: {  	(tag) =	ssettag $0x0;
	lr =	simm.s32 $0x1  }
0x2: {  	[smem:$0x3F9F] =	sst lr;
	_ =	strace $0xD0000000  }
0x3: {  	_ = 	snop  }
0x4: {  	_ = 	snop  }
0x5: {  	_ = 	snop  }
0x6: {  	_ = 	snop  }
0x7: {  	_ = 	snop  }
__scs_overlays_trampoline_lowered:
0x8: {  	[smem:$0x3FAE] =	sst s0  }
0x9: {  	[smem:$0x3FAF] =	sst s1  }
0xa: {  	[smem:$0x3FB0] =	sst s2  }
0xb: {  	[smem:$0x3FB1] =	sst s3  }
0xc: {  	[smem:$0x3FB2] =	sst s4  }
0xd: {  	[smem:$0x3FB3] =	sst s5  }
0xe: {  	[smem:$0x3FB4] =	sst s6  }
0xf: {  	[smem:$0x3FB5] =	sst s7  }
0x10: {  	[smem:$0x3FB6] =	sst s8  }
0x11: {  	[smem:$0x3FB7] =	sst s9;
	s0 =	simm.s32 @!p0 $0x0  }
0x12: {  	s1 =	sld [smem:$0x3F9D];
	s0 =	simm.s32 @p0 $0x1  }
0x13: {  	[smem:$0x3FB8] =	sst s0;
	s0 =	simm.s32 @!p1 $0x0  }
0x14: {  	s2 =	sld [smem:$0x3F9C];
	s0 =	simm.s32 @p1 $0x1  }
0x15: {  	[smem:$0x3FB9] =	sst s0;
	s0 =	simm.s32 @!p2 $0x0  }
0x16: {  	s3 =	sld [smem:$0x3FDB];
	s0 =	simm.s32 @p2 $0x1  }
0x17: {  	s4 =	simm.s32 $0x1BF5;
	[smem:$0x3FBB] =	sst s0  }
0x18: {  	s0 =	sld [smem:$0x3F9E];
	_ =	swait.ge [sflag:s4], $0x0  }
0x19: {  	s7 =	sld [smem:$0x3F9F]  }
0x1a: {  	s8 =	sadd.s32 $0xFFFFE003, lr  }
0x1b: {  	s9 =	sadd.s32 $0xFFFFFEF7, lr;
	s5 =	simm.s32 $0xFFFFFFFF;
	p2 =	slt.u32 s8, $0xFFFFF086  }
0x1c: {  	p1 =	slt.u32 s9, $0xF7A;
	s5 =	simm.s32 @!p2 $0x0  }
0x1d: {  	s5 =	simm.s32 @p1 $0x1;
	p0 =	seq.s32 s7, s2  }
0x1e: {  	s7 =	smul.u32 @!p0 $0xF7A, s2;
	p2 =	seq.s32 @!p0 s5, $0x0  }
0x1f: {  	s9 =	smul.u32 $0xF7A, s1;
	s8 =	simm.s32 @!p0 $0x1BF5;
	p2 =	por !p2, p0  }
0x20: {  	[sflag:s8] =	ssyncset.s32 @!p0 $0xFFFFF086;
	s6 =	sadd.s32 @!p0 s3, s7;
	s7 =	simm.s32 @!p0 $0x108  }
0x21: {  	s3 =	sadd.s32 s3, s9;
	s6 =	sadd.s32 @!p0 $0x88, s6;
	s7 =	simm.s32 @p2 $0x1082  }
0x22: {  	[simem:s7], [sflag:s8] =	dma.local @!p0 [hbm:s6], $0xF7A  }
0x23: {  	s9 =	sor.u32 $0xD0000000, s2;
	s6 =	simm.s32 $0x108;
	_ =	swait.ge @!p0 [sflag:s8], $0x0  }
0x24: {  	s3 =	sadd.s32 $0x88, s3;
	s6 =	simm.s32 @!p1 $0x1082;
	[sflag:s4] =	ssyncset.s32 $0xFFFFF086  }
0x25: {  	[simem:s6], [sflag:s4] =	dma.local [hbm:s3], $0xF7A  }
0x26: {  	[smem:$0x3F9F] =	sst s1;
	(tag) =	ssettag s2;
	_ =	strace s9  }
0x27: {  	s1 =	sld [smem:$0x3FAF]  }
0x28: {  	s2 =	sld [smem:$0x3FB0]  }
0x29: {  	s4 =	sld [smem:$0x3FB2]  }
0x2a: {  	p0 =	seq.s32 s5, $0x0;
	s5 =	sld [smem:$0x3FB3]  }
0x2b: {  	s6 =	sld [smem:$0x3FB4]  }
0x2c: {  	s7 =	sld [smem:$0x3FB5]  }
0x2d: {  	s3 =	simm.s32 $0x108;
	s8 =	sld [smem:$0x3FB6]  }
0x2e: {  	s3 =	simm.s32 @!p0 $0x1082;
	s9 =	sld [smem:$0x3FB7]  }
0x2f: {  	lr =	sadd.s32 s0, s3;
	s0 =	sld [smem:$0x3FAE]  }
0x30: {  	s3 =	sld [smem:$0x3FB1]  }
0x31: {  	[smem:$0x3FBA] =	sst s10  }
0x32: {  	s10 =	sld [smem:$0x3FB8];
	_ =	sdelay $0x3  }
0x33: {  	p0 =	seq.s32 s10, $0x1;
	s10 =	sld [smem:$0x3FBA];
	_ =	sdelay $0x3  }
0x34: {  	[smem:$0x3FBA] =	sst s10  }
0x35: {  	s10 =	sld [smem:$0x3FB9];
	_ =	sdelay $0x3  }
0x36: {  	p1 =	seq.s32 s10, $0x1;
	s10 =	sld [smem:$0x3FBA];
	_ =	sdelay $0x3  }
0x37: {  	[smem:$0x3FBA] =	sst s10  }
0x38: {  	s10 =	sld [smem:$0x3FBB]  }
0x39: {  	_ = 	snop;
	(pc) =	sbr.ind lr, $3  }
0x3a: {  	_ = 	snop  }
0x3b: {  	_ = 	snop  }
0x3c: {  	p2 =	seq.s32 s10, $0x1;
	s10 =	sld [smem:$0x3FBA]  }
0x3d: {  	_ =	shalt  }
0x3e: {  	_ =	shalt  }
0x3f: {  	_ =	shalt  }
0x40: {  	_ =	shalt  }
0x41: {  	_ =	shalt  }
0x42: {  	_ =	shalt  }
0x43: {  	_ =	shalt  }
0x44: {  	_ =	shalt  }
0x45: {  	_ =	shalt  }
0x46: {  	_ =	shalt  }
0x47: {  	_ =	shalt  }
0x48: {  	_ =	shalt  }
0x49: {  	_ =	shalt  }
0x4a: {  	_ =	shalt  }
0x4b: {  	_ =	shalt  }
0x4c: {  	_ =	shalt  }
0x4d: {  	_ =	shalt  }
0x4e: {  	_ =	shalt  }
0x4f: {  	_ =	shalt  }
0x50: {  	_ =	shalt  }
0x51: {  	_ =	shalt  }
0x52: {  	_ =	shalt  }
0x53: {  	_ =	shalt  }
0x54: {  	_ =	shalt  }
0x55: {  	_ =	shalt  }
0x56: {  	_ =	shalt  }
0x57: {  	_ =	shalt  }
0x58: {  	_ =	shalt  }
0x59: {  	_ =	shalt  }
0x5a: {  	_ =	shalt  }
0x5b: {  	_ =	shalt  }
0x5c: {  	_ =	shalt  }
0x5d: {  	_ =	shalt  }
0x5e: {  	_ =	shalt  }
0x5f: {  	_ =	shalt  }
0x60: {  	_ =	shalt  }
0x61: {  	_ =	shalt  }
0x62: {  	_ =	shalt  }
0x63: {  	_ =	shalt  }
0x64: {  	_ =	shalt  }
0x65: {  	_ =	shalt  }
0x66: {  	_ =	shalt  }
0x67: {  	_ =	shalt  }
0x68: {  	_ =	shalt  }
0x69: {  	_ =	shalt  }
0x6a: {  	_ =	shalt  }
0x6b: {  	_ =	shalt  }
0x6c: {  	_ =	shalt  }
0x6d: {  	_ =	shalt  }
0x6e: {  	_ =	shalt  }
0x6f: {  	_ =	shalt  }
0x70: {  	_ =	shalt  }
0x71: {  	_ =	shalt  }
0x72: {  	_ =	shalt  }
0x73: {  	_ =	shalt  }
0x74: {  	_ =	shalt  }
0x75: {  	_ =	shalt  }
0x76: {  	_ =	shalt  }
0x77: {  	_ =	shalt  }
0x78: {  	_ =	shalt  }
0x79: {  	_ =	shalt  }
0x7a: {  	_ =	shalt  }
0x7b: {  	_ =	shalt  }
0x7c: {  	_ =	shalt  }
0x7d: {  	_ =	shalt  }
0x7e: {  	_ =	shalt  }
0x7f: {  	_ =	shalt  }
0x80: {  	_ =	shalt  }
0x81: {  	_ =	shalt  }
0x82: {  	_ =	shalt  }
0x83: {  	_ =	shalt  }
0x84: {  	_ =	shalt  }
0x85: {  	_ =	shalt  }
0x86: {  	_ =	shalt  }
0x87: {  	_ =	shalt  }
.Lfunc_end0:
.L_simem_size_0:
called_computation_lowered:
.L_overlay_start_0:
0x88: {  	s2 =	sld [smem:$0x3FD9]  }
0x89: {  	s3 =	sld [smem:$0x3FFE];
	_ =	sdelay $0x1  }
0x8a: {  	s1 =	srdreg.scid  }
0x8b: {  	s0 =	sand.u32 $0x1, s1  }
0x8c: {  	s17 =	sshll.u32 s0, $0xA;
	s2 =	sadd.s32 s3, s2  }
0x8d: {  	s2 =	sadd.s32 s2, s17  }
0x8e: {  	[smem:$0x3FC6] =	sst s2  }
0x8f: {  	_ = 	snop  }
0x90: {  	s2 =	sld [smem:$0x3FC9]  }
0x91: {  	s18 =	sld [smem:$0x3FD0];
	(tm) =	ssettm $0x1  }
0x92: {  	s4 =	sld [smem:$0x3FFB];
	_ =	sdelay $0x3  }
0x93: {  	_ =	strace s4  }
0x94: {  	s4 =	sld [smem:$0x3FFC];
	_ =	sdelay $0x3  }
0x95: {  	_ =	strace s4  }
0x96: {  	s4 =	sld [smem:$0x3FFD];
	_ =	sdelay $0x3  }
0x97: {  	_ =	strace s4  }
0x98: {  	_ =	strace $0x8FFFFFFF  }
0x99: {  	s19 =	sld [smem:$0x3FDB];
	_ =	sdelay $0x1  }
0x9a: {  	s5 =	simm.s32 $_scs_section_size  }
0x9b: {  	s6 =	simm.s32 $_size__tile_overlayer_lowered;
	s7 =	simm.s32 $_tile_overlayer_lowered  }
0x9c: {  	s22 =	simm.s32 $0x1BFF;
	s21 =	sshll.u32 s7, $0x1;
	s4 =	sadd.s32 s5, s19  }
0x9d: {  	s8 =	simm.s32 $0x0;
	s20 =	sshll.u32 s6, $0x1;
	s6 =	sadd.s32 s21, s4  }
0x9e: {  	[timem:s8], [sflag:s22] =	dma.local [hbm:s6], s20  }
0x9f: {  	_ =	swait.ge [sflag:s22], s20  }
0xa0: {  	s5 =	ssub.s32 $0x0, s20;
	[sflag:s22] =	ssyncset.done $0x0  }
0xa1: {  	[sflag:s22] =	ssyncadd.s32 s5;
	_ =	sdelay $0x1  }
0xa2: {  	s23 =	simm.s32 $0x1B8B  }
0xa3: {  	_ =	swait.ge [sflag:s23], $0x1  }
0xa4: {  	[sflag:s23] =	ssyncset.done $0x0  }
0xa5: {  	s25 =	simm.s32 $0x1B8E;
	s24 =	sld [smem:$0x3FFE];
	[sflag:s23] =	ssyncadd.s32 $0xFFFFFFFF  }
0xa6: {  	s26 =	simm.s32 $execute0_lowered;
	[smem:$0x3FD2] =	sst s25  }
0xa7: {  	s6 =	sshll.u32 s26, $0x1;
	_ =	strace $0x80000046;
	[dreg:$0x1] =	wrdreg $0xFFFFFFFF  }
0xa8: {  	s28 =	simm.s32 $_size_execute0_lowered;
	s4 =	sadd.s32 s4, s6;
	[dreg:$0x0] =	wrdreg $0x0  }
0xa9: {  	s6 =	sshll.u32 s28, $0x1;
	[dreg:$0x2] =	wrdreg s4  }
0xaa: {  	[dreg:$0x3] =	wrdreg s6  }
0xab: {  	[dreg:$0x4] =	wrdreg $0xC0  }
0xac: {  	_ =	task [dreg:s8], $0x5FFFF  }
0xad: {  	[dreg:$0x1] =	wrdreg $0xFFFFFFFF  }
0xae: {  	[dreg:$0x0] =	wrdreg $0x60  }
0xaf: {  	[dreg:$0x2] =	wrdreg s24  }
0xb0: {  	[dreg:$0x3] =	wrdreg s2  }
0xb1: {  	[dreg:$0x4] =	wrdreg s18  }
0xb2: {  	[dreg:$0x5] =	wrdreg $0x9  }
0xb3: {  	_ =	task.clear_ibuf [dreg:s8], $0x6FFFF;
	_ =	strace $0x90000046  }
0xb4: {  	s29 =	simm.s32 $0x9;
	_ =	strace $0x80000048  }
0xb5: {  	_ =	swait.ge [sflag:s29], $0x1  }
0xb6: {  	[sflag:s29] =	ssyncadd.s32 $0xFFFFFFFF  }
0xb7: {  	_ =	strace $0x90000048  }
0xb8: {  	_ =	sfence  }
0xb9: {  	s30 =	sld [smem:$0x0];
	_ =	sdelay $0x2  }
0xba: {  	s31 =	sshll.u32 s1, $0xD;
	s1 =	sshrl.u32 s1, $0x2  }
0xbb: {  	s3 =	sand.u32 $0x4000, s31;
	s1 =	sadd.s32 s1, s30  }
0xbc: {  	s0 =	sor.u32 s3, s0;
	s1 =	sshll.u32 s1, $0x11  }
0xbd: {  	s0 =	sor.u32 s1, s0  }
0xbe: {  	s0 =	sadd.s32 $0x8F2B, s0  }
0xbf: {  	[sflag:s0] =	ssyncadd.remote.s32 $0x1  }
0xc0: {  	_ =	sfence.sel $0xFFFF  }
0xc1: {  	[dreg:$0x0] =	wrdreg $0xFFFFFFFF;
	(pc) =	sbr.abs _section_cstart, $3  }
0xc2: {  	[dreg:$0x1] =	wrdreg $0xFFFFFFFF  }
0xc3: {  	_ =	task.clear_ibuf [dreg:s8], $0x2FFFF;
	_ =	strace $0x9FFFFFFF  }
0xc4: {  	(tm) =	ssettm $0x7FFFFFFF  }
0xc5: {  	_ =	shalt  }
tec
execute0_lowered:
.L_overlay_start_1:
0x0: {  	(tag) =	ssettag $0x1  }
0x1: {  	s0 =	rddreg [dreg:$0x0]  }
0x2: {  	s1 =	srdreg.scid;
	s6 =	rddreg [dreg:$0x1]  }
0x3: {  	s2 =	stileid.u32;
	s21 =	rddreg [dreg:$0x2];
	s4 =	simm.s32 $0x0  }
0x4: {  	s1 =	sand.u32 $0x1, s1;
	s2 =	sshll.u32 s2, $0xD;
	[smem:$0x7FF] =	sst s4  }
0x5: {  	s0 =	sadd.s32 $0x400, s0;
	s3 =	sshll.u32 s1, $0xC;
	s1 =	ssub.s32 $0x2, s1  }
0x6: {  	_ =	strace $0x80000047;
	[dreg:$0x7] =	wrdreg s0;
	s24 =	sor.u32 s3, s2  }
0x7: {  	s28 =	sshrl.u32 s1, $0x1;
	s2 =	sshrl.u32 s24, $0x3;
	s31 =	sor.u32 $0x40000, s24  }
0x8: {  	s29 =	ssub.s32 s1, s28;
	s2 =	sadd.s32 s6, s2;
	[dreg:$0x9] =	wrdreg s31  }
0x9: {  	s0 =	smax.u32 s29, $0x1;
	[dreg:$0x6] =	wrdreg s2  }
0xa: {  	s30 =	sadd.s32 $0x4000, s2;
	[dreg:$0xa] =	wrdreg s0  }
0xb: {  	s2 =	simm.s32 $0x0;
	[dreg:$0x8] =	wrdreg s30  }
.LBB2_1:
0xc: {  	[dreg:$0xb] =	wrdreg s2  }
0xd: {  	s0 =	rddreg [dreg:$0x6];
	s1 =	simm.s32 $0x14C08  }
0xe: {  	[tilespmem:s1], [sflag:$0x2] =	stream.linear.gather [hbm4b:s0+s4], $0x1000, $0x38;
	[tilespmem:$0x1AC08] =	vst v63  }
0xf: {  	s28 =	rddreg [dreg:$0x8];
	s29 =	simm.s32 $0x15C08  }
0x10: {  	[tilespmem:s29], [sflag:$0x2] =	stream.linear.gather [hbm4b:s28+s4], $0x1000, $0x38;
	[tilespmem:$0x1AC08] =	vst v63  }
0x11: {  	s30 =	rddreg [dreg:$0x7];
	s31 =	simm.s32 $0x3  }
0x12: {  	[tilespmem:s4], [sflag:$0x3] =	stream.linear.gather [hbm4b:s30+s4], $0x14C08, $0x38;
	[tilespmem:$0x1AC08] =	vst v63  }
0x13: {  	_ =	swait.ge [sflag:s31], $0x14C08  }
0x14: {  	[sflag:s31] =	ssyncset.done $0x0  }
0x15: {  	s2 =	simm.s32 $0x0;
	[sflag:s31] =	ssyncadd.s32 $0xFFFEB3F8  }
.LBB2_2:
0x16: {  	s0 =	sshll.u32 s2, $0xC;
	s1 =	simm.s32 $0x2  }
0x17: {  	s31 =	sshll.u32 s2, $0x3;
	s25 =	simm.s32 $0x0;
	_ =	swait.ge [sflag:s1], $0x1000  }
0x18: {  	s0 =	sand.u32 $0x1000, s0;
	[dreg:$0xc] =	wrdreg s2;
	[sflag:s1] =	ssyncset.done $0x0  }
0x19: {  	[dreg:$0xd] =	wrdreg s31;
	s22 =	sor.u32 $0x14C08, s0;
	[sflag:s1] =	ssyncadd.s32 $0xFFFFF000  }
.LBB2_3:
0x1a: {  	s26 =	sshll.u32 s25, $0x1;
	s0 =	rddreg [dreg:$0xd]  }
0x1b: {  	s12 =	sshll.u32 s25, $0x8;
	s28 =	sor.u32 s0, s26  }
0x1c: {  	s0 =	sand.u32 $0x3FFFFF00, s12;
	p0 =	seq.s32 s28, $0x0  }
0x1d: {  	s0 =	sadd.s32 s0, s22;
	s1 =	simm.s32 @!p0 $0x1  }
0x1e: {  	s2 =	simm.s32 $0x0;
	_ =	swait.ge @!p0 [sflag:s1], $0x2000;
	[dreg:$0x4] =	wrdreg s0  }
0x1f: {  	s20 =	sand.u32 $0x60, s2;
	s9 =	sand.u32 $0xC00, s2;
	s0 =	rddreg [dreg:$0x4]  }
0x20: {  	s2 =	sor.u32 $0x10, s20;
	[sflag:s1] =	ssyncset.done @!p0 $0x0;
	s0 =	sadd.s32 s9, s0  }
0x21: {  	[sflag:s1] =	ssyncadd.s32 @!p0 $0xFFFFE000;
	s13 =	sadd.s32 s2, s0  }
0x22: {  	v0 =	vld [tilespmem:s13+$0x0];
	_ =	sdelay $0x1  }
0x23: {  	s0 =	sadd.s32 s20, s0  }
0x24: {  	v1 =	vld [tilespmem:s0+$0x0];
	_ =	sdelay $0x1  }
0x25: {  	v4 =	vmul.u32 $0x11, v0;
	_ =	sdelay $0x2  }
0x26: {  	v3 =	vmul.u32 $0x11, v1;
	_ =	sdelay $0x2  }
0x27: {  	v0 =	vld.idx.msk [tilespmem:v4+s4+$0x0], $0xffff  }
0x28: {  	v1 =	vadd.s32 $0x1, v4;
	_ =	sdelay $0x1  }
0x29: {  	s14 =	sadd.s32 $0x16C08, s9;
	v2 =	vld.idx.msk [tilespmem:v3+s4+$0x0], $0xffff  }
0x2a: {  	s7 =	sor.u32 s2, s14;
	v5 =	vadd.s32 $0x1, v3  }
0x2b: {  	[tilespmem:s7+$0x0] =	vst v0  }
0x2c: {  	v0 =	vld.idx.msk [tilespmem:v1+s4+$0x0], $0xffff  }
0x2d: {  	s6 =	sor.u32 s20, s14;
	v1 =	vadd.s32 $0x2, v4  }
0x2e: {  	[tilespmem:s6+$0x0] =	vst v2  }
0x2f: {  	v2 =	vld.idx.msk [tilespmem:v5+s4+$0x0], $0xffff  }
0x30: {  	v5 =	vadd.s32 $0x2, v3  }
0x31: {  	[tilespmem:s7+$0x80] =	vst v0  }
0x32: {  	v0 =	vld.idx.msk [tilespmem:v1+s4+$0x0], $0xffff  }
0x33: {  	s15 =	simm.s32 $0x20;
	s16 =	simm.s32 $0x100;
	v1 =	vadd.s32 $0x3, v4  }
0x34: {  	s3 =	rddreg [dreg:$0x4];
	s1 =	sand.u32 $0xC00, s16;
	s0 =	sand.u32 $0x60, s15;
	[tilespmem:s6+$0x80] =	vst v2  }
0x35: {  	s3 =	sadd.s32 s1, s3;
	s29 =	sor.u32 $0x10, s0;
	v2 =	vld.idx.msk [tilespmem:v5+s4+$0x0], $0xffff  }
0x36: {  	s8 =	sadd.s32 s29, s3;
	v5 =	vadd.s32 $0x3, v3  }
0x37: {  	v6 =	vld [tilespmem:s8+$0x0];
	[tilespmem:s7+$0x100] =	vst v0  }
0x38: {  	v0 =	vld.idx.msk [tilespmem:v1+s4+$0x0], $0xffff  }
0x39: {  	s3 =	sadd.s32 s0, s3;
	v1 =	vadd.s32 $0x4, v4  }
0x3a: {  	v7 =	vld [tilespmem:s3+$0x0];
	[tilespmem:s6+$0x100] =	vst v2  }
0x3b: {  	v2 =	vld.idx.msk [tilespmem:v5+s4+$0x0], $0xffff  }
0x3c: {  	v5 =	vadd.s32 $0x4, v3  }
0x3d: {  	[tilespmem:s7+$0x180] =	vst v0;
	v0 =	vmul.u32 $0x11, v6  }
0x3e: {  	v1 =	vld.idx.msk [tilespmem:v1+s4+$0x0], $0xffff  }
0x3f: {  	v8 =	vadd.s32 $0x5, v4;
	v6 =	vmul.u32 $0x11, v7  }
0x40: {  	[tilespmem:s6+$0x180] =	vst v2  }
0x41: {  	v2 =	vld.idx.msk [tilespmem:v5+s4+$0x0], $0xffff  }
0x42: {  	v5 =	vadd.s32 $0x5, v3  }
0x43: {  	v7 =	vld.idx.msk [tilespmem:v0+s4+$0x0], $0xffff;
	[tilespmem:s7+$0x200] =	vst v1  }
0x44: {  	v1 =	vld.idx.msk [tilespmem:v8+s4+$0x0], $0xffff;
	v8 =	vadd.s32 $0x1, v0  }
0x45: {  	v9 =	vadd.s32 $0x6, v4;
	v10 =	vld.idx.msk [tilespmem:v6+s4+$0x0], $0xffff  }
0x46: {  	s17 =	sadd.s32 $0x16C08, s1;
	[tilespmem:s6+$0x200] =	vst v2;
	v2 =	vadd.s32 $0x1, v6  }
0x47: {  	s14 =	sor.u32 s29, s17;
	v5 =	vld.idx.msk [tilespmem:v5+s4+$0x0], $0xffff  }
0x48: {  	v11 =	vadd.s32 $0x6, v3;
	[tilespmem:s14+$0x0] =	vst v7  }
0x49: {  	s3 =	sor.u32 s0, s17;
	v7 =	vld.idx.msk [tilespmem:v8+s4+$0x0], $0xffff;
	[tilespmem:s7+$0x280] =	vst v1  }
0x4a: {  	[tilespmem:s3+$0x0] =	vst v10;
	v8 =	vadd.s32 $0x2, v0;
	v1 =	vld.idx.msk [tilespmem:v9+s4+$0x0], $0xffff  }
0x4b: {  	v2 =	vld.idx.msk [tilespmem:v2+s4+$0x0], $0xffff;
	v9 =	vadd.s32 $0x7, v4  }
0x4c: {  	[tilespmem:s6+$0x280] =	vst v5;
	v5 =	vadd.s32 $0x2, v6  }
0x4d: {  	v10 =	vld.idx.msk [tilespmem:v11+s4+$0x0], $0xffff  }
0x4e: {  	s10 =	simm.s32 $0x40;
	s11 =	simm.s32 $0x200;
	v11 =	vadd.s32 $0x7, v3;
	[tilespmem:s14+$0x80] =	vst v7  }
0x4f: {  	s30 =	sand.u32 $0x60, s10;
	s11 =	sand.u32 $0xC00, s11;
	s18 =	rddreg [dreg:$0x4];
	v7 =	vld.idx.msk [tilespmem:v8+s4+$0x0], $0xffff;
	[tilespmem:s7+$0x300] =	vst v1  }
0x50: {  	s31 =	sor.u32 $0x10, s30;
	s8 =	sadd.s32 s11, s18;
	[tilespmem:s3+$0x80] =	vst v2;
	v8 =	vadd.s32 $0x3, v0;
	v1 =	vld.idx.msk [tilespmem:v9+s4+$0x0], $0xffff  }
0x51: {  	s19 =	sadd.s32 s31, s8;
	v2 =	vadd.s32 $0x8, v4;
	v5 =	vld.idx.msk [tilespmem:v5+s4+$0x0], $0xffff  }
0x52: {  	v12 =	vld [tilespmem:s19+$0x0];
	[tilespmem:s6+$0x300] =	vst v10;
	v9 =	vadd.s32 $0x3, v6  }
0x53: {  	s5 =	smov.u32 s21;
	s21 =	sadd.s32 s30, s8;
	v10 =	vld.idx.msk [tilespmem:v11+s4+$0x0], $0xffff  }
0x54: {  	v13 =	vld [tilespmem:s21+$0x0];
	v11 =	vadd.s32 $0x8, v3;
	[tilespmem:s14+$0x100] =	vst v7  }
0x55: {  	v7 =	vld.idx.msk [tilespmem:v8+s4+$0x0], $0xffff;
	[tilespmem:s7+$0x380] =	vst v1  }
0x56: {  	[tilespmem:s3+$0x100] =	vst v5;
	v8 =	vadd.s32 $0x4, v0;
	v2 =	vld.idx.msk [tilespmem:v2+s4+$0x0], $0xffff  }
0x57: {  	v5 =	vadd.s32 $0x9, v4;
	v9 =	vld.idx.msk [tilespmem:v9+s4+$0x0], $0xffff  }
0x58: {  	[tilespmem:s6+$0x380] =	vst v10;
	v10 =	vadd.s32 $0x4, v6  }
0x59: {  	s23 =	smov.u32 s24;
	s24 =	sadd.s32 $0x17C08, s9;
	v11 =	vld.idx.msk [tilespmem:v11+s4+$0x0], $0xffff  }
0x5a: {  	s8 =	sor.u32 s2, s24;
	v14 =	vadd.s32 $0x9, v3;
	v1 =	vmul.u32 $0x11, v12;
	[tilespmem:s14+$0x180] =	vst v7  }
0x5b: {  	v7 =	vld.idx.msk [tilespmem:v8+s4+$0x0], $0xffff;
	[tilespmem:s8+$0x0] =	vst v2  }
0x5c: {  	[tilespmem:s3+$0x180] =	vst v9;
	v8 =	vmul.u32 $0x11, v13;
	v2 =	vld.idx.msk [tilespmem:v5+s4+$0x0], $0xffff;
	v5 =	vadd.s32 $0x5, v0  }
0x5d: {  	s6 =	sor.u32 s20, s24;
	v10 =	vld.idx.msk [tilespmem:v10+s4+$0x0], $0xffff  }
0x5e: {  	[tilespmem:s6+$0x0] =	vst v11;
	v11 =	vadd.s32 $0x5, v6  }
0x5f: {  	v9 =	vadd.s32 $0xA, v4;
	v12 =	vld.idx.msk [tilespmem:v14+s4+$0x0], $0xffff  }
0x60: {  	v14 =	vld.idx.msk [tilespmem:v1+s4+$0x0], $0xffff;
	[tilespmem:s14+$0x200] =	vst v7  }
0x61: {  	s10 =	sadd.s32 $0x17C88, s9;
	v13 =	vadd.s32 $0xA, v3;
	v5 =	vld.idx.msk [tilespmem:v5+s4+$0x0], $0xffff  }
0x62: {  	s12 =	sor.u32 s2, s10;
	[tilespmem:s3+$0x200] =	vst v10;
	v15 =	vld.idx.msk [tilespmem:v8+s4+$0x0], $0xffff  }
0x63: {  	[tilespmem:s12+$0x0] =	vst v2;
	v2 =	vadd.s32 $0x1, v1;
	v11 =	vld.idx.msk [tilespmem:v11+s4+$0x0], $0xffff  }
0x64: {  	s13 =	sadd.s32 $0x16C08, s11;
	s6 =	sor.u32 s20, s10;
	v7 =	vld.idx.msk [tilespmem:v9+s4+$0x0], $0xffff;
	v9 =	vadd.s32 $0x6, v0  }
0x65: {  	s10 =	sor.u32 s31, s13;
	v16 =	vadd.s32 $0x1, v8;
	[tilespmem:s6+$0x0] =	vst v12  }
0x66: {  	v10 =	vadd.s32 $0xB, v4;
	[tilespmem:s10+$0x0] =	vst v14;
	v13 =	vld.idx.msk [tilespmem:v13+s4+$0x0], $0xffff  }
0x67: {  	v12 =	vadd.s32 $0x6, v6;
	s6 =	sor.u32 s30, s13;
	[tilespmem:s14+$0x280] =	vst v5  }
0x68: {  	s15 =	sadd.s32 $0x17D08, s9;
	v2 =	vld.idx.msk [tilespmem:v2+s4+$0x0], $0xffff;
	[tilespmem:s6+$0x0] =	vst v15  }
0x69: {  	s16 =	sor.u32 s20, s15;
	s19 =	simm.s32 $0x300;
	v14 =	vadd.s32 $0xB, v3;
	s12 =	sor.u32 s2, s15;
	[tilespmem:s3+$0x280] =	vst v11;
	v5 =	vld.idx.msk [tilespmem:v9+s4+$0x0], $0xffff  }
0x6a: {  	s18 =	rddreg [dreg:$0x4];
	s13 =	simm.s32 $0x60;
	[tilespmem:s12+$0x0] =	vst v7;
	v7 =	vadd.s32 $0x2, v1;
	v15 =	vld.idx.msk [tilespmem:v16+s4+$0x0], $0xffff;
	s12 =	sand.u32 $0xC00, s19  }
0x6b: {  	s7 =	sand.u32 $0x60, s13;
	[tilespmem:s16+$0x0] =	vst v13;
	v9 =	vld.idx.msk [tilespmem:v10+s4+$0x0], $0xffff;
	v10 =	vadd.s32 $0x7, v0;
	s16 =	sadd.s32 s12, s18  }
0x6c: {  	v16 =	vadd.s32 $0x2, v8;
	v12 =	vld.idx.msk [tilespmem:v12+s4+$0x0], $0xffff;
	s24 =	sadd.s32 s7, s16  }
0x6d: {  	v11 =	vadd.s32 $0xC, v4;
	v17 =	vld [tilespmem:s24+$0x0]  }
0x6e: {  	[tilespmem:s10+$0x80] =	vst v2;
	v2 =	vld.idx.msk [tilespmem:v14+s4+$0x0], $0xffff  }
0x6f: {  	s15 =	sadd.s32 $0x17D88, s9;
	v13 =	vadd.s32 $0x7, v6;
	v7 =	vld.idx.msk [tilespmem:v7+s4+$0x0], $0xffff;
	[tilespmem:s14+$0x300] =	vst v5  }
0x70: {  	s17 =	sor.u32 s2, s15;
	[tilespmem:s6+$0x80] =	vst v15;
	v5 =	vld.idx.msk [tilespmem:v10+s4+$0x0], $0xffff  }
0x71: {  	[tilespmem:s17+$0x0] =	vst v9;
	v9 =	vadd.s32 $0x3, v1;
	v14 =	vld.idx.msk [tilespmem:v16+s4+$0x0], $0xffff  }
0x72: {  	v10 =	vld.idx.msk [tilespmem:v11+s4+$0x0], $0xffff;
	v11 =	vadd.s32 $0x8, v0  }
0x73: {  	s8 =	sor.u32 $0x10, s7;
	[tilespmem:s3+$0x300] =	vst v12;
	v15 =	vadd.s32 $0x3, v8  }
0x74: {  	v12 =	vadd.s32 $0xD, v4;
	s17 =	sadd.s32 s8, s16;
	v13 =	vld.idx.msk [tilespmem:v13+s4+$0x0], $0xffff;
	v35 =	vmul.u32 $0x11, v17  }
0x75: {  	v16 =	vld [tilespmem:s17+$0x0];
	[tilespmem:s10+$0x100] =	vst v7  }
0x76: {  	s17 =	sadd.s32 $0x17E08, s9;
	v7 =	vadd.s32 $0x8, v6;
	v9 =	vld.idx.msk [tilespmem:v9+s4+$0x0], $0xffff;
	[tilespmem:s14+$0x380] =	vst v5  }
0x77: {  	s21 =	sor.u32 s2, s17;
	v5 =	vadd.s32 $0xC, v3;
	[tilespmem:s6+$0x100] =	vst v14;
	v11 =	vld.idx.msk [tilespmem:v11+s4+$0x0], $0xffff  }
0x78: {  	[tilespmem:s21+$0x0] =	vst v10;
	v10 =	vadd.s32 $0x4, v1;
	v15 =	vld.idx.msk [tilespmem:v15+s4+$0x0], $0xffff  }
0x79: {  	v14 =	vadd.s32 $0x9, v0;
	v12 =	vld.idx.msk [tilespmem:v12+s4+$0x0], $0xffff  }
0x7a: {  	v18 =	vadd.s32 $0x4, v8;
	s15 =	sor.u32 s20, s15;
	[tilespmem:s3+$0x380] =	vst v13;
	v24 =	vld.idx.msk [tilespmem:v35+s4+$0x0], $0xffff  }
0x7b: {  	s16 =	sadd.s32 $0x17C08, s1;
	[tilespmem:s15+$0x0] =	vst v2;
	v13 =	vadd.s32 $0xE, v4;
	v2 =	vmul.u32 $0x11, v16;
	v7 =	vld.idx.msk [tilespmem:v7+s4+$0x0], $0xffff  }
0x7c: {  	s18 =	sor.u32 s29, s16;
	[tilespmem:s10+$0x180] =	vst v9;
	v5 =	vld.idx.msk [tilespmem:v5+s4+$0x0], $0xffff  }
0x7d: {  	v19 =	vadd.s32 $0x9, v6;
	s3 =	sadd.s32 $0x17E88, s9;
	v9 =	vld.idx.msk [tilespmem:v10+s4+$0x0], $0xffff;
	[tilespmem:s18+$0x0] =	vst v11  }
0x7e: {  	v21 =	vadd.s32 $0xD, v3;
	s21 =	sor.u32 s2, s3;
	[tilespmem:s6+$0x180] =	vst v15;
	v10 =	vld.idx.msk [tilespmem:v14+s4+$0x0], $0xffff  }
0x7f: {  	s14 =	sor.u32 s0, s16;
	v11 =	vadd.s32 $0x5, v1;
	[tilespmem:s21+$0x0] =	vst v12;
	v15 =	vld.idx.msk [tilespmem:v18+s4+$0x0], $0xffff  }
0x80: {  	s17 =	sor.u32 s20, s17;
	v14 =	vadd.s32 $0xA, v0;
	v13 =	vld.idx.msk [tilespmem:v13+s4+$0x0], $0xffff;
	[tilespmem:s14+$0x0] =	vst v7  }
0x81: {  	s24 =	sadd.s32 $0x17C88, s1;
	v17 =	vadd.s32 $0x5, v8;
	v18 =	vld.idx.msk [tilespmem:v2+s4+$0x0], $0xffff;
	[tilespmem:s17+$0x0] =	vst v5  }
0x82: {  	s18 =	sor.u32 s29, s24;
	v7 =	vadd.s32 $0xF, v4;
	v16 =	vld.idx.msk [tilespmem:v19+s4+$0x0], $0xffff;
	[tilespmem:s10+$0x200] =	vst v9  }
0x83: {  	v34 =	vadd.s32 $0xB, v6;
	v25 =	vadd.s32 $0xB, v0;
	s15 =	sadd.s32 $0x17F08, s9;
	v9 =	vadd.s32 $0xA, v6;
	v32 =	vld.idx.msk [tilespmem:v21+s4+$0x0], $0xffff;
	[tilespmem:s18+$0x0] =	vst v10  }
0x84: {  	v36 =	vadd.s32 $0x6, v8;
	v22 =	vadd.s32 $0x7, v8;
	s16 =	sadd.s32 $0x16C08, s12;
	s21 =	sor.u32 s2, s15;
	v19 =	vld.idx.msk [tilespmem:v11+s4+$0x0], $0xffff;
	v10 =	vadd.s32 $0x1, v2;
	[tilespmem:s6+$0x200] =	vst v15  }
0x85: {  	v20 =	vadd.s32 $0x8, v8;
	v37 =	vadd.s32 $0x1, v35;
	s17 =	sor.u32 s7, s16;
	v14 =	vld.idx.msk [tilespmem:v14+s4+$0x0], $0xffff;
	[tilespmem:s21+$0x0] =	vst v13;
	v13 =	vadd.s32 $0x6, v1  }
0x86: {  	v31 =	vadd.s32 $0x2, v35;
	v29 =	vadd.s32 $0x3, v35;
	v27 =	vadd.s32 $0x4, v35;
	s14 =	sor.u32 s0, s24;
	[tilespmem:s17+$0x0] =	vst v24;
	v17 =	vld.idx.msk [tilespmem:v17+s4+$0x0], $0xffff  }
0x87: {  	v26 =	vadd.s32 $0x5, v35;
	v30 =	vadd.s32 $0x7, v35;
	v28 =	vadd.s32 $0x8, v35;
	s21 =	sor.u32 s8, s16;
	v23 =	vld.idx.msk [tilespmem:v7+s4+$0x0], $0xffff;
	[tilespmem:s14+$0x0] =	vst v16  }
0x88: {  	v41 =	vadd.s32 $0x2, v2;
	v12 =	vadd.s32 $0xE, v3;
	v4 =	vadd.s32 $0xF, v3;
	[tilespmem:s21+$0x0] =	vst v18;
	s14 =	sadd.s32 $0x17D08, s1;
	v9 =	vld.idx.msk [tilespmem:v9+s4+$0x0], $0xffff  }
0x89: {  	v3 =	vadd.s32 $0xF, v6;
	v5 =	vadd.s32 $0xE, v6;
	v21 =	vadd.s32 $0xC, v35;
	s24 =	sor.u32 s29, s14;
	v39 =	vld.idx.msk [tilespmem:v10+s4+$0x0], $0xffff;
	[tilespmem:s10+$0x280] =	vst v19  }
0x8a: {  	v24 =	vadd.s32 $0xE, v35;
	v11 =	vadd.s32 $0xC, v6;
	v15 =	vadd.s32 $0xB, v8;
	s18 =	sadd.s32 $0x17F88, s9;
	[tilespmem:s24+$0x0] =	vst v14;
	v40 =	vld.idx.msk [tilespmem:v13+s4+$0x0], $0xffff  }
0x8b: {  	v38 =	vld.idx.msk [tilespmem:v37+s4+$0x0], $0xffff;
	v37 =	vadd.s32 $0x7, v1;
	s2 =	sor.u32 s2, s18;
	v7 =	vadd.s32 $0xD, v6;
	v18 =	vadd.s32 $0x9, v8;
	[tilespmem:s6+$0x280] =	vst v17  }
0x8c: {  	v6 =	vadd.s32 $0xE, v8;
	v16 =	vadd.s32 $0xA, v8;
	s16 =	sor.u32 s0, s14;
	v10 =	vadd.s32 $0xD, v8;
	v33 =	vld.idx.msk [tilespmem:v25+s4+$0x0], $0xffff;
	[tilespmem:s2+$0x0] =	vst v23  }
0x8d: {  	s9 =	sor.u32 s20, s3;
	v19 =	vadd.s32 $0xA, v35;
	v14 =	vadd.s32 $0xC, v8;
	v8 =	vadd.s32 $0xF, v8;
	v36 =	vld.idx.msk [tilespmem:v36+s4+$0x0], $0xffff;
	[tilespmem:s16+$0x0] =	vst v9  }
0x8e: {  	s14 =	simm.s32 $0x6;
	v17 =	vadd.s32 $0xB, v35;
	v13 =	vadd.s32 $0xD, v35;
	s24 =	sadd.s32 $0x17D88, s1;
	v25 =	vadd.s32 $0x6, v35;
	s2 =	sor.u32 s20, s15;
	[tilespmem:s21+$0x80] =	vst v39;
	v34 =	vld.idx.msk [tilespmem:v34+s4+$0x0], $0xffff  }
0x8f: {  	v23 =	vadd.s32 $0x9, v35;
	s20 =	sor.u32 s20, s18;
	s3 =	sor.u32 s29, s24;
	v9 =	vadd.s32 $0xF, v35;
	v35 =	vadd.s32 $0xC, v0;
	s16 =	sor.u32 s0, s24;
	v39 =	vld.idx.msk [tilespmem:v41+s4+$0x0], $0xffff;
	[tilespmem:s10+$0x300] =	vst v40  }
.LBB2_4:
0x90: {  	_ =	sdelay $0x2  }
0x91: {  	v37 =	vld.idx.msk [tilespmem:v37+s4+$0x0], $0xffff;
	[tilespmem:s3+$0x0] =	vst v33  }
0x92: {  	[tilespmem:s9+$0x0] =	vst v32  }
0x93: {  	v45 =	vadd.s32 $0x3, v2;
	s13 =	sadd.s32 $0x20, s13;
	s19 =	sadd.s32 $0x100, s19;
	v35 =	vld.idx.msk [tilespmem:v35+s4+$0x0], $0xffff;
	[tilespmem:s17+$0x80] =	vst v38  }
0x94: {  	s24 =	rddreg [dreg:$0x4];
	v46 =	vadd.s32 $0x8, v1;
	s15 =	sand.u32 $0x60, s13;
	s18 =	sand.u32 $0xC00, s19;
	v38 =	vld.idx.msk [tilespmem:v12+s4+$0x0], $0xffff  }
0x95: {  	s9 =	sadd.s32 s18, s24;
	s3 =	sor.u32 $0x10, s15;
	v12 =	vmovc v5;
	v5 =	vmov v6;
	v6 =	vmov v24;
	v24 =	vld.idx.msk [tilespmem:v31+s4+$0x0], $0xffff;
	[tilespmem:s6+$0x300] =	vst v36;
	v31 =	vadd.s32 $0xD, v0  }
0x96: {  	s24 =	sadd.s32 s15, s9;
	s9 =	sadd.s32 s3, s9;
	v36 =	vld.idx.msk [tilespmem:v22+s4+$0x0], $0xffff;
	[tilespmem:s16+$0x0] =	vst v34  }
0x97: {  	v22 =	vmov v30;
	v30 =	vld [tilespmem:s9+$0x0];
	[tilespmem:s21+$0x100] =	vst v39;
	s9 =	sadd.s32 $0x17E08, s1  }
0x98: {  	v33 =	vld.idx.msk [tilespmem:v45+s4+$0x0], $0xffff;
	[tilespmem:s10+$0x380] =	vst v37;
	s16 =	sor.u32 s0, s9;
	s9 =	sor.u32 s29, s9  }
0x99: {  	v32 =	vld.idx.msk [tilespmem:v46+s4+$0x0], $0xffff;
	[tilespmem:s9+$0x0] =	vst v35  }
0x9a: {  	v47 =	vadd.s32 $0x4, v2;
	v31 =	vld.idx.msk [tilespmem:v31+s4+$0x0], $0xffff;
	[tilespmem:s2+$0x0] =	vst v38  }
0x9b: {  	v48 =	vld [tilespmem:s24+$0x0];
	[tilespmem:s17+$0x100] =	vst v24;
	v24 =	vadd.s32 $0x9, v1  }
0x9c: {  	v49 =	vadd.s32 $0xE, v0;
	v29 =	vld.idx.msk [tilespmem:v29+s4+$0x0], $0xffff;
	[tilespmem:s6+$0x380] =	vst v36  }
0x9d: {  	s10 =	smov.u32 s21;
	s21 =	sadd.s32 $0x17C08, s11;
	v50 =	vld.idx.msk [tilespmem:v20+s4+$0x0], $0xffff  }
0x9e: {  	s2 =	sor.u32 s31, s21;
	s24 =	sadd.s32 $0x17E88, s1;
	[tilespmem:s10+$0x180] =	vst v33;
	v20 =	vmov v28;
	v28 =	vld.idx.msk [tilespmem:v11+s4+$0x0], $0xffff  }
0x9f: {  	s9 =	sor.u32 s0, s24;
	s24 =	sor.u32 s29, s24;
	v11 =	vmov v14;
	v14 =	vmov v21;
	v21 =	vmul.u32 $0x11, v30;
	v33 =	vld.idx.msk [tilespmem:v47+s4+$0x0], $0xffff;
	[tilespmem:s2+$0x0] =	vst v32  }
0xa0: {  	s6 =	smov.u32 s17;
	v24 =	vld.idx.msk [tilespmem:v24+s4+$0x0], $0xffff;
	[tilespmem:s24+$0x0] =	vst v31  }
0xa1: {  	v52 =	vadd.s32 $0x5, v2;
	v53 =	vld.idx.msk [tilespmem:v49+s4+$0x0], $0xffff;
	[tilespmem:s6+$0x180] =	vst v29  }
0xa2: {  	v55 =	vadd.s32 $0xA, v1;
	s17 =	sor.u32 s30, s21;
	v56 =	vld.idx.msk [tilespmem:v4+s4+$0x0], $0xffff  }
0xa3: {  	v57 =	vadd.s32 $0xF, v0;
	v51 =	vmul.u32 $0x11, v48;
	v40 =	vld.idx.msk [tilespmem:v27+s4+$0x0], $0xffff;
	[tilespmem:s17+$0x0] =	vst v50  }
0xa4: {  	s17 =	sadd.s32 $0x17C88, s11;
	v43 =	vld.idx.msk [tilespmem:v18+s4+$0x0], $0xffff;
	[tilespmem:s16+$0x0] =	vst v28  }
0xa5: {  	v0 =	vmov v1;
	v1 =	vmov v2;
	s21 =	sadd.s32 $0x17F08, s1;
	v2 =	vmov v21;
	v45 =	vld.idx.msk [tilespmem:v21+s4+$0x0], $0xffff;
	[tilespmem:s10+$0x200] =	vst v33;
	s2 =	sor.u32 s31, s17  }
0xa6: {  	v58 =	vadd.s32 $0x1, v2;
	s16 =	sor.u32 s30, s17;
	s17 =	sor.u32 s29, s21;
	v33 =	vld.idx.msk [tilespmem:v52+s4+$0x0], $0xffff;
	[tilespmem:s2+$0x0] =	vst v24  }
0xa7: {  	v38 =	vld.idx.msk [tilespmem:v55+s4+$0x0], $0xffff;
	[tilespmem:s17+$0x0] =	vst v53  }
0xa8: {  	v59 =	vadd.s32 $0x6, v1;
	s24 =	sadd.s32 $0x16C08, s18;
	v37 =	vld.idx.msk [tilespmem:v57+s4+$0x0], $0xffff;
	[tilespmem:s20+$0x0] =	vst v56  }
0xa9: {  	v60 =	vadd.s32 $0xB, v0;
	s2 =	sor.u32 s0, s21;
	s21 =	sor.u32 s3, s24;
	v32 =	vld.idx.msk [tilespmem:v51+s4+$0x0], $0xffff;
	[tilespmem:s6+$0x200] =	vst v40  }
0xaa: {  	[tilespmem:s21+$0x0] =	vst v45;
	v40 =	vld.idx.msk [tilespmem:v26+s4+$0x0], $0xffff  }
0xab: {  	v54 =	vadd.s32 $0x1, v51;
	s20 =	sadd.s32 $0x17D08, s11;
	[tilespmem:s16+$0x0] =	vst v43;
	v34 =	vld.idx.msk [tilespmem:v58+s4+$0x0], $0xffff  }
0xac: {  	s14 =	sadd.s32 $0x2, s14;
	v35 =	vadd.s32 $0xC, v0;
	[tilespmem:s10+$0x280] =	vst v33;
	s16 =	sor.u32 s31, s20;
	v61 =	vld.idx.msk [tilespmem:v16+s4+$0x0], $0xffff  }
0xad: {  	p0 =	slt.u32 s14, $0x1E;
	s1 =	sadd.s32 $0x17F88, s1;
	v63 =	vadd.s32 $0x2, v2;
	v31 =	vadd.s32 $0x2, v51;
	v29 =	vadd.s32 $0x3, v51;
	s17 =	sor.u32 s15, s24;
	v62 =	vld.idx.msk [tilespmem:v59+s4+$0x0], $0xffff;
	[tilespmem:s16+$0x0] =	vst v38  }
0xae: {  	v27 =	vadd.s32 $0x4, v51;
	v41 =	vadd.s32 $0x5, v51;
	v42 =	vadd.s32 $0x6, v51;
	s24 =	sor.u32 s30, s20;
	s20 =	sor.u32 s0, s1;
	s1 =	sor.u32 s29, s1;
	v33 =	vld.idx.msk [tilespmem:v60+s4+$0x0], $0xffff;
	[tilespmem:s17+$0x0] =	vst v32  }
.Ltmp0:
0xaf: {  	v4 =	vmovc v3;
	v30 =	vadd.s32 $0x7, v51;
	v44 =	vadd.s32 $0xA, v51;
	v46 =	vadd.s32 $0xB, v51;
	[tilespmem:s1+$0x0] =	vst v37;
	v32 =	vld.idx.msk [tilespmem:v7+s4+$0x0], $0xffff;
	(pc) =	sbr.rel @p0 .LBB2_4-.Ltmp0, $4  }
0xb0: {  	v3 =	vmovc v8;
	v8 =	vmovc v9;
	v47 =	vadd.s32 $0xD, v51;
	v9 =	vadd.s32 $0xF, v51;
	v28 =	vadd.s32 $0x8, v51;
	s0 =	smov.u32 s30;
	s30 =	smov.u32 s7;
	s7 =	smov.u32 s15;
	v38 =	vld.idx.msk [tilespmem:v54+s4+$0x0], $0xffff;
	[tilespmem:s6+$0x280] =	vst v40  }
0xb1: {  	v18 =	vmovc v23;
	v23 =	vadd.s32 $0x9, v51;
	v21 =	vadd.s32 $0xC, v51;
	v24 =	vadd.s32 $0xE, v51;
	s29 =	smov.u32 s31;
	s31 =	smov.u32 s8;
	s1 =	smov.u32 s11;
	[tilespmem:s21+$0x80] =	vst v34;
	v36 =	vld.idx.msk [tilespmem:v25+s4+$0x0], $0xffff  }
0xb2: {  	v26 =	vmovc v41;
	s8 =	smov.u32 s3;
	v16 =	vmovc v19;
	v19 =	vmov v44;
	v37 =	vadd.s32 $0x7, v1;
	s11 =	smov.u32 s12;
	v7 =	vmov v10;
	[tilespmem:s24+$0x0] =	vst v61;
	s24 =	sadd.s32 $0x17D88, s1;
	v39 =	vld.idx.msk [tilespmem:v63+s4+$0x0], $0xffff  }
0xb3: {  	s12 =	smov.u32 s18;
	v10 =	vmovc v13;
	v13 =	vmovc v47;
	v25 =	vmov v42;
	[tilespmem:s10+$0x300] =	vst v62;
	v34 =	vld.idx.msk [tilespmem:v15+s4+$0x0], $0xffff;
	v15 =	vmov v17;
	v17 =	vmov v46;
	s16 =	sor.u32 s0, s24;
	s3 =	sor.u32 s29, s24  }
0xb4: {  	_ =	sdelay $0x2  }
0xb5: {  	[tilespmem:s17+$0x80] =	vst v38  }
0xb6: {  	v58 =	vadd.s32 $0x3, v2;
	v31 =	vld.idx.msk [tilespmem:v31+s4+$0x0], $0xffff;
	_ =	sdelay $0x3  }
0xb7: {  	[tilespmem:s21+$0x100] =	vst v39  }
0xb8: {  	v38 =	vld.idx.msk [tilespmem:v58+s4+$0x0], $0xffff;
	[tilespmem:s17+$0x100] =	vst v31  }
0xb9: {  	v31 =	vadd.s32 $0x4, v2;
	v29 =	vld.idx.msk [tilespmem:v29+s4+$0x0], $0xffff;
	_ =	sdelay $0x3  }
0xba: {  	[tilespmem:s21+$0x180] =	vst v38  }
0xbb: {  	v31 =	vld.idx.msk [tilespmem:v31+s4+$0x0], $0xffff;
	[tilespmem:s17+$0x180] =	vst v29  }
0xbc: {  	v29 =	vadd.s32 $0x5, v2;
	v27 =	vld.idx.msk [tilespmem:v27+s4+$0x0], $0xffff;
	_ =	sdelay $0x3  }
0xbd: {  	[tilespmem:s21+$0x200] =	vst v31  }
0xbe: {  	v29 =	vld.idx.msk [tilespmem:v29+s4+$0x0], $0xffff;
	[tilespmem:s17+$0x200] =	vst v27  }
0xbf: {  	v27 =	vadd.s32 $0x6, v2;
	v26 =	vld.idx.msk [tilespmem:v26+s4+$0x0], $0xffff;
	_ =	sdelay $0x3  }
0xc0: {  	[tilespmem:s21+$0x280] =	vst v29  }
0xc1: {  	v27 =	vld.idx.msk [tilespmem:v27+s4+$0x0], $0xffff;
	[tilespmem:s17+$0x280] =	vst v26  }
0xc2: {  	v26 =	vadd.s32 $0x7, v2;
	v25 =	vld.idx.msk [tilespmem:v25+s4+$0x0], $0xffff;
	_ =	sdelay $0x2  }
0xc3: {  	[tilespmem:s6+$0x300] =	vst v36;
	v29 =	vld.idx.msk [tilespmem:v37+s4+$0x0], $0xffff  }
0xc4: {  	v22 =	vld.idx.msk [tilespmem:v22+s4+$0x0], $0xffff;
	v31 =	vadd.s32 $0x8, v1;
	[tilespmem:s21+$0x300] =	vst v27  }
0xc5: {  	v26 =	vld.idx.msk [tilespmem:v26+s4+$0x0], $0xffff;
	[tilespmem:s17+$0x300] =	vst v25  }
0xc6: {  	v25 =	vadd.s32 $0x8, v2;
	v27 =	vld.idx.msk [tilespmem:v30+s4+$0x0], $0xffff;
	_ =	sdelay $0x1  }
0xc7: {  	[tilespmem:s10+$0x380] =	vst v29  }
0xc8: {  	[tilespmem:s6+$0x380] =	vst v22;
	v29 =	vld.idx.msk [tilespmem:v31+s4+$0x0], $0xffff  }
0xc9: {  	v22 =	vadd.s32 $0x9, v1;
	v20 =	vld.idx.msk [tilespmem:v20+s4+$0x0], $0xffff;
	[tilespmem:s21+$0x380] =	vst v26  }
0xca: {  	v25 =	vld.idx.msk [tilespmem:v25+s4+$0x0], $0xffff;
	[tilespmem:s17+$0x380] =	vst v27  }
0xcb: {  	s15 =	sadd.s32 $0x17C08, s11;
	v26 =	vadd.s32 $0x9, v2;
	v27 =	vld.idx.msk [tilespmem:v28+s4+$0x0], $0xffff  }
0xcc: {  	s17 =	sor.u32 s31, s15  }
0xcd: {  	s18 =	sadd.s32 $0x17C08, s12;
	s6 =	sor.u32 s30, s15;
	[tilespmem:s17+$0x0] =	vst v29  }
0xce: {  	s19 =	sor.u32 s8, s18;
	[tilespmem:s6+$0x0] =	vst v20;
	v22 =	vld.idx.msk [tilespmem:v22+s4+$0x0], $0xffff  }
0xcf: {  	v20 =	vadd.s32 $0xA, v1;
	v18 =	vld.idx.msk [tilespmem:v18+s4+$0x0], $0xffff;
	s10 =	sor.u32 s7, s18;
	[tilespmem:s19+$0x0] =	vst v25  }
0xd0: {  	v25 =	vld.idx.msk [tilespmem:v26+s4+$0x0], $0xffff;
	[tilespmem:s10+$0x0] =	vst v27  }
0xd1: {  	s21 =	sadd.s32 $0x17C88, s11;
	v26 =	vadd.s32 $0xA, v2;
	v23 =	vld.idx.msk [tilespmem:v23+s4+$0x0], $0xffff  }
0xd2: {  	[tilespmem:s3+$0x0] =	vst v33;
	s24 =	sor.u32 s31, s21  }
0xd3: {  	s6 =	sor.u32 s30, s21;
	s10 =	sadd.s32 $0x17C88, s12;
	[tilespmem:s24+$0x0] =	vst v22  }
0xd4: {  	[tilespmem:s6+$0x0] =	vst v18;
	s13 =	sor.u32 s8, s10;
	v20 =	vld.idx.msk [tilespmem:v20+s4+$0x0], $0xffff  }
0xd5: {  	v18 =	vadd.s32 $0xB, v1;
	v16 =	vld.idx.msk [tilespmem:v16+s4+$0x0], $0xffff;
	s3 =	sor.u32 s7, s10;
	[tilespmem:s13+$0x0] =	vst v25  }
0xd6: {  	v22 =	vld.idx.msk [tilespmem:v26+s4+$0x0], $0xffff;
	[tilespmem:s3+$0x0] =	vst v23  }
0xd7: {  	[tilespmem:s9+$0x0] =	vst v32;
	s14 =	sadd.s32 $0x17D08, s11;
	v23 =	vadd.s32 $0xB, v2;
	v19 =	vld.idx.msk [tilespmem:v19+s4+$0x0], $0xffff  }
0xd8: {  	[tilespmem:s16+$0x0] =	vst v34;
	s15 =	sor.u32 s31, s14;
	v25 =	vld.idx.msk [tilespmem:v35+s4+$0x0], $0xffff  }
0xd9: {  	v12 =	vld.idx.msk [tilespmem:v12+s4+$0x0], $0xffff;
	s16 =	sadd.s32 $0x17D08, s12;
	v26 =	vadd.s32 $0xD, v0;
	s3 =	sor.u32 s30, s14;
	[tilespmem:s15+$0x0] =	vst v20  }
0xda: {  	s17 =	sor.u32 s8, s16;
	[tilespmem:s3+$0x0] =	vst v16;
	v18 =	vld.idx.msk [tilespmem:v18+s4+$0x0], $0xffff  }
0xdb: {  	s18 =	sadd.s32 $0x17E08, s1;
	s6 =	sor.u32 s7, s16;
	v16 =	vadd.s32 $0xC, v1;
	v15 =	vld.idx.msk [tilespmem:v15+s4+$0x0], $0xffff;
	[tilespmem:s17+$0x0] =	vst v22  }
0xdc: {  	s19 =	sor.u32 s29, s18;
	v20 =	vld.idx.msk [tilespmem:v23+s4+$0x0], $0xffff;
	[tilespmem:s6+$0x0] =	vst v19  }
0xdd: {  	s21 =	sadd.s32 $0x17D88, s11;
	[tilespmem:s19+$0x0] =	vst v25;
	v19 =	vadd.s32 $0xC, v2;
	v17 =	vld.idx.msk [tilespmem:v17+s4+$0x0], $0xffff  }
0xde: {  	[tilespmem:s2+$0x0] =	vst v12;
	s24 =	sor.u32 s31, s21;
	v22 =	vld.idx.msk [tilespmem:v26+s4+$0x0], $0xffff  }
0xdf: {  	v11 =	vld.idx.msk [tilespmem:v11+s4+$0x0], $0xffff;
	v12 =	vadd.s32 $0xE, v0;
	s3 =	sor.u32 s30, s21;
	s6 =	sadd.s32 $0x17D88, s12;
	[tilespmem:s24+$0x0] =	vst v18  }
0xe0: {  	[tilespmem:s3+$0x0] =	vst v15;
	s10 =	sor.u32 s8, s6;
	v16 =	vld.idx.msk [tilespmem:v16+s4+$0x0], $0xffff  }
0xe1: {  	s13 =	sadd.s32 $0x17E88, s1;
	v15 =	vadd.s32 $0xD, v1;
	s2 =	sor.u32 s7, s6;
	v14 =	vld.idx.msk [tilespmem:v14+s4+$0x0], $0xffff;
	[tilespmem:s10+$0x0] =	vst v20  }
0xe2: {  	s14 =	sor.u32 s29, s13;
	v18 =	vld.idx.msk [tilespmem:v19+s4+$0x0], $0xffff;
	[tilespmem:s2+$0x0] =	vst v17  }
0xe3: {  	s16 =	sadd.s32 $0x17E08, s11;
	s15 =	sor.u32 s0, s18;
	[tilespmem:s14+$0x0] =	vst v22;
	v17 =	vadd.s32 $0xD, v2;
	v19 =	vld.idx.msk [tilespmem:v21+s4+$0x0], $0xffff  }
0xe4: {  	[tilespmem:s15+$0x0] =	vst v11;
	s17 =	sor.u32 s31, s16;
	v12 =	vld.idx.msk [tilespmem:v12+s4+$0x0], $0xffff  }
0xe5: {  	s18 =	sadd.s32 $0x17E08, s12;
	v7 =	vld.idx.msk [tilespmem:v7+s4+$0x0], $0xffff;
	s3 =	sor.u32 s30, s16;
	[tilespmem:s17+$0x0] =	vst v16  }
0xe6: {  	s19 =	sor.u32 s8, s18;
	[tilespmem:s3+$0x0] =	vst v14;
	v11 =	vld.idx.msk [tilespmem:v15+s4+$0x0], $0xffff  }
0xe7: {  	s21 =	sadd.s32 $0x17F08, s1;
	s2 =	sor.u32 s7, s18;
	v14 =	vadd.s32 $0xE, v1;
	v10 =	vld.idx.msk [tilespmem:v10+s4+$0x0], $0xffff;
	[tilespmem:s19+$0x0] =	vst v18  }
0xe8: {  	s24 =	sor.u32 s29, s21;
	v15 =	vld.idx.msk [tilespmem:v17+s4+$0x0], $0xffff;
	[tilespmem:s2+$0x0] =	vst v19  }
0xe9: {  	s10 =	sor.u32 s0, s13;
	s13 =	sadd.s32 $0x17E88, s11;
	[tilespmem:s24+$0x0] =	vst v12;
	v12 =	vadd.s32 $0xE, v2;
	v13 =	vld.idx.msk [tilespmem:v13+s4+$0x0], $0xffff  }
0xea: {  	v4 =	vld.idx.msk [tilespmem:v4+s4+$0x0], $0xffff;
	[tilespmem:s10+$0x0] =	vst v7;
	s14 =	sor.u32 s31, s13  }
0xeb: {  	v0 =	vadd.s32 $0xF, v0;
	s15 =	sadd.s32 $0x17E88, s12;
	v5 =	vld.idx.msk [tilespmem:v5+s4+$0x0], $0xffff;
	s3 =	sor.u32 s30, s13;
	[tilespmem:s14+$0x0] =	vst v11  }
0xec: {  	s16 =	sor.u32 s8, s15;
	[tilespmem:s3+$0x0] =	vst v10;
	v7 =	vld.idx.msk [tilespmem:v14+s4+$0x0], $0xffff  }
0xed: {  	v1 =	vadd.s32 $0xF, v1;
	s2 =	sor.u32 s7, s15;
	v6 =	vld.idx.msk [tilespmem:v6+s4+$0x0], $0xffff;
	[tilespmem:s16+$0x0] =	vst v15  }
0xee: {  	v10 =	vld.idx.msk [tilespmem:v12+s4+$0x0], $0xffff;
	[tilespmem:s2+$0x0] =	vst v13  }
0xef: {  	[tilespmem:s20+$0x0] =	vst v4;
	s18 =	sadd.s32 $0x17F08, s11;
	s17 =	sor.u32 s0, s21;
	v2 =	vadd.s32 $0xF, v2;
	v4 =	vld.idx.msk [tilespmem:v24+s4+$0x0], $0xffff  }
0xf0: {  	v0 =	vld.idx.msk [tilespmem:v0+s4+$0x0], $0xffff;
	s19 =	sor.u32 s31, s18;
	[tilespmem:s17+$0x0] =	vst v5  }
0xf1: {  	s20 =	sadd.s32 $0x17F08, s12;
	v3 =	vld.idx.msk [tilespmem:v3+s4+$0x0], $0xffff;
	s3 =	sor.u32 s30, s18;
	[tilespmem:s19+$0x0] =	vst v7  }
0xf2: {  	s21 =	sor.u32 s8, s20;
	[tilespmem:s3+$0x0] =	vst v6;
	v1 =	vld.idx.msk [tilespmem:v1+s4+$0x0], $0xffff  }
0xf3: {  	s24 =	sadd.s32 $0x17F88, s1;
	s2 =	sor.u32 s7, s20;
	v5 =	vld.idx.msk [tilespmem:v8+s4+$0x0], $0xffff;
	[tilespmem:s21+$0x0] =	vst v10  }
0xf4: {  	s6 =	sor.u32 s29, s24;
	v2 =	vld.idx.msk [tilespmem:v2+s4+$0x0], $0xffff;
	[tilespmem:s2+$0x0] =	vst v4  }
0xf5: {  	s10 =	sadd.s32 $0x17F88, s11;
	s9 =	sor.u32 s0, s24;
	[tilespmem:s6+$0x0] =	vst v0;
	v0 =	vld.idx.msk [tilespmem:v9+s4+$0x0], $0xffff  }
0xf6: {  	s12 =	sadd.s32 $0x17F88, s12;
	s11 =	sor.u32 s31, s10;
	[tilespmem:s9+$0x0] =	vst v3  }
0xf7: {  	s13 =	sshll.u32 s28, $0x12;
	s1 =	sor.u32 s30, s10;
	s24 =	smov.u32 s23;
	[tilespmem:s11+$0x0] =	vst v1  }
0xf8: {  	s0 =	sor.u32 s7, s12;
	s14 =	sor.u32 s8, s12;
	s2 =	sor.u32 s23, s13;
	[tilespmem:s1+$0x0] =	vst v5  }
0xf9: {  	s17 =	simm.s32 $0x16C08;
	s21 =	smov.u32 s5;
	s15 =	sshrl.u32 s2, $0x3;
	[tilespmem:s14+$0x0] =	vst v2  }
0xfa: {  	s23 =	simm.s32 $0x20000;
	s16 =	sadd.s32 s5, s15;
	s5 =	simm.s32 $0x1000;
	[tilespmem:s0+$0x0] =	vst v0  }
0xfb: {  	[hbm4b:s16+s5] =	stream.strided.scatter [tilespmem:s17], [sflag:$0x1], $0x2000, s23, s5, $0x38;
	[tilespmem:$0x1AC08] =	vst v63  }
0xfc: {  	s18 =	sor.u32 $0x1, s26;
	s19 =	rddreg [dreg:$0xd]  }
0xfd: {  	s0 =	sshll.u32 s18, $0x7;
	s26 =	sor.u32 s19, s18  }
0xfe: {  	s0 =	sand.u32 $0x3FFFFF80, s0;
	p0 =	seq.s32 s26, $0x1  }
0xff: {  	s0 =	sadd.s32 s0, s22;
	s1 =	simm.s32 @!p0 $0x1  }
0x100: {  	s20 =	simm.s32 $0x0;
	_ =	swait.ge @!p0 [sflag:s1], $0x2000;
	[dreg:$0x5] =	wrdreg s0  }
0x101: {  	s6 =	sand.u32 $0x60, s20;
	s19 =	sand.u32 $0xC00, s20;
	s0 =	rddreg [dreg:$0x5]  }
0x102: {  	s13 =	sor.u32 $0x10, s6;
	[sflag:s1] =	ssyncset.done @!p0 $0x0;
	s0 =	sadd.s32 s19, s0  }
0x103: {  	[sflag:s1] =	ssyncadd.s32 @!p0 $0xFFFFE000;
	s3 =	sadd.s32 s13, s0  }
0x104: {  	v0 =	vld [tilespmem:s3+$0x0];
	_ =	sdelay $0x1  }
0x105: {  	s0 =	sadd.s32 s6, s0  }
0x106: {  	v1 =	vld [tilespmem:s0+$0x0];
	_ =	sdelay $0x1  }
0x107: {  	v4 =	vmul.u32 $0x11, v0;
	_ =	sdelay $0x2  }
0x108: {  	v3 =	vmul.u32 $0x11, v1;
	_ =	sdelay $0x2  }
0x109: {  	v0 =	vld.idx.msk [tilespmem:v4+s4+$0x0], $0xffff  }
0x10a: {  	v1 =	vadd.s32 $0x1, v4;
	_ =	sdelay $0x1  }
0x10b: {  	s7 =	sadd.s32 $0x18C08, s19;
	v2 =	vld.idx.msk [tilespmem:v3+s4+$0x0], $0xffff  }
0x10c: {  	s8 =	sor.u32 s13, s7;
	v5 =	vadd.s32 $0x1, v3  }
0x10d: {  	[tilespmem:s8+$0x0] =	vst v0  }
0x10e: {  	v0 =	vld.idx.msk [tilespmem:v1+s4+$0x0], $0xffff  }
0x10f: {  	s0 =	sor.u32 s6, s7;
	v1 =	vadd.s32 $0x2, v4  }
0x110: {  	[tilespmem:s0+$0x0] =	vst v2  }
0x111: {  	s9 =	sadd.s32 $0x18C88, s19;
	v2 =	vld.idx.msk [tilespmem:v5+s4+$0x0], $0xffff  }
0x112: {  	s10 =	sor.u32 s13, s9;
	v5 =	vadd.s32 $0x2, v3  }
0x113: {  	[tilespmem:s10+$0x0] =	vst v0  }
0x114: {  	v0 =	vld.idx.msk [tilespmem:v1+s4+$0x0], $0xffff  }
0x115: {  	s12 =	simm.s32 $0x20;
	s14 =	simm.s32 $0x100;
	s0 =	sor.u32 s6, s9;
	v1 =	vadd.s32 $0x3, v4  }
0x116: {  	s28 =	sand.u32 $0x60, s12;
	s29 =	sand.u32 $0xC00, s14;
	s11 =	rddreg [dreg:$0x5];
	[tilespmem:s0+$0x0] =	vst v2  }
0x117: {  	s30 =	sor.u32 $0x10, s28;
	s15 =	sadd.s32 $0x18D08, s19;
	s1 =	sadd.s32 s29, s11;
	v2 =	vld.idx.msk [tilespmem:v5+s4+$0x0], $0xffff  }
0x118: {  	s17 =	sor.u32 s13, s15;
	s16 =	sadd.s32 s30, s1;
	v5 =	vadd.s32 $0x3, v3  }
0x119: {  	v6 =	vld [tilespmem:s16+$0x0];
	[tilespmem:s17+$0x0] =	vst v0  }
0x11a: {  	v0 =	vld.idx.msk [tilespmem:v1+s4+$0x0], $0xffff  }
0x11b: {  	s1 =	sadd.s32 s28, s1;
	s0 =	sor.u32 s6, s15;
	v1 =	vadd.s32 $0x4, v4  }
0x11c: {  	v7 =	vld [tilespmem:s1+$0x0];
	[tilespmem:s0+$0x0] =	vst v2  }
0x11d: {  	s18 =	sadd.s32 $0x18D88, s19;
	v2 =	vld.idx.msk [tilespmem:v5+s4+$0x0], $0xffff  }
0x11e: {  	s20 =	sor.u32 s13, s18;
	v5 =	vadd.s32 $0x4, v3  }
0x11f: {  	[tilespmem:s20+$0x0] =	vst v0;
	v0 =	vmul.u32 $0x11, v6  }
0x120: {  	v1 =	vld.idx.msk [tilespmem:v1+s4+$0x0], $0xffff  }
0x121: {  	v8 =	vadd.s32 $0x5, v4;
	s0 =	sor.u32 s6, s18  }
0x122: {  	v6 =	vmul.u32 $0x11, v7;
	[tilespmem:s0+$0x0] =	vst v2  }
0x123: {  	s2 =	sadd.s32 $0x18E08, s19;
	v2 =	vld.idx.msk [tilespmem:v5+s4+$0x0], $0xffff  }
0x124: {  	s3 =	sor.u32 s13, s2;
	v5 =	vadd.s32 $0x5, v3  }
0x125: {  	v7 =	vld.idx.msk [tilespmem:v0+s4+$0x0], $0xffff;
	[tilespmem:s3+$0x0] =	vst v1  }
0x126: {  	v1 =	vld.idx.msk [tilespmem:v8+s4+$0x0], $0xffff;
	v8 =	vadd.s32 $0x1, v0  }
0x127: {  	v9 =	vadd.s32 $0x6, v4;
	s0 =	sor.u32 s6, s2  }
0x128: {  	s7 =	sadd.s32 $0x18C08, s29;
	v10 =	vld.idx.msk [tilespmem:v6+s4+$0x0], $0xffff;
	[tilespmem:s0+$0x0] =	vst v2  }
0x129: {  	s8 =	sor.u32 s30, s7;
	s9 =	sadd.s32 $0x18E88, s19;
	v2 =	vadd.s32 $0x1, v6;
	v5 =	vld.idx.msk [tilespmem:v5+s4+$0x0], $0xffff  }
0x12a: {  	v11 =	vadd.s32 $0x6, v3;
	s10 =	sor.u32 s13, s9;
	[tilespmem:s8+$0x0] =	vst v7  }
0x12b: {  	v7 =	vld.idx.msk [tilespmem:v8+s4+$0x0], $0xffff;
	[tilespmem:s10+$0x0] =	vst v1  }
0x12c: {  	s11 =	sor.u32 s28, s7;
	v8 =	vadd.s32 $0x2, v0;
	v1 =	vld.idx.msk [tilespmem:v9+s4+$0x0], $0xffff  }
0x12d: {  	s12 =	sor.u32 s6, s9;
	[tilespmem:s11+$0x0] =	vst v10;
	v9 =	vadd.s32 $0x7, v4  }
0x12e: {  	s14 =	sadd.s32 $0x18C88, s29;
	v2 =	vld.idx.msk [tilespmem:v2+s4+$0x0], $0xffff;
	[tilespmem:s12+$0x0] =	vst v5  }
0x12f: {  	s16 =	sadd.s32 $0x18F08, s19;
	s15 =	sor.u32 s30, s14;
	v5 =	vadd.s32 $0x2, v6;
	v10 =	vld.idx.msk [tilespmem:v11+s4+$0x0], $0xffff  }
0x130: {  	s17 =	sor.u32 s13, s16;
	v11 =	vadd.s32 $0x7, v3;
	[tilespmem:s15+$0x0] =	vst v7  }
0x131: {  	s9 =	simm.s32 $0x200;
	v7 =	vld.idx.msk [tilespmem:v8+s4+$0x0], $0xffff;
	[tilespmem:s17+$0x0] =	vst v1  }
0x132: {  	s18 =	rddreg [dreg:$0x5];
	s20 =	sor.u32 s28, s14;
	s8 =	simm.s32 $0x40;
	v8 =	vadd.s32 $0x3, v0;
	v1 =	vld.idx.msk [tilespmem:v9+s4+$0x0], $0xffff  }
0x133: {  	s2 =	sor.u32 s6, s16;
	s0 =	sand.u32 $0xC00, s9;
	s31 =	sand.u32 $0x60, s8;
	[tilespmem:s20+$0x0] =	vst v2;
	v2 =	vadd.s32 $0x8, v4  }
0x134: {  	s7 =	sadd.s32 s0, s18;
	s10 =	sadd.s32 $0x18D08, s29;
	s1 =	sor.u32 $0x10, s31;
	v5 =	vld.idx.msk [tilespmem:v5+s4+$0x0], $0xffff;
	[tilespmem:s2+$0x0] =	vst v10  }
0x135: {  	s11 =	sadd.s32 $0x18F88, s19;
	s14 =	sor.u32 s30, s10;
	s12 =	sadd.s32 s1, s7;
	v9 =	vadd.s32 $0x3, v6;
	v10 =	vld.idx.msk [tilespmem:v11+s4+$0x0], $0xffff  }
0x136: {  	v12 =	vld [tilespmem:s12+$0x0];
	s15 =	sor.u32 s13, s11;
	v11 =	vadd.s32 $0x8, v3;
	[tilespmem:s14+$0x0] =	vst v7  }
0x137: {  	v7 =	vld.idx.msk [tilespmem:v8+s4+$0x0], $0xffff;
	[tilespmem:s15+$0x0] =	vst v1  }
0x138: {  	s3 =	sor.u32 s28, s10;
	s7 =	sadd.s32 s31, s7;
	v8 =	vadd.s32 $0x4, v0;
	v2 =	vld.idx.msk [tilespmem:v2+s4+$0x0], $0xffff  }
0x139: {  	v13 =	vld [tilespmem:s7+$0x0];
	s2 =	sor.u32 s6, s11;
	[tilespmem:s3+$0x0] =	vst v5;
	v5 =	vadd.s32 $0x9, v4  }
0x13a: {  	s16 =	sadd.s32 $0x18D88, s29;
	v9 =	vld.idx.msk [tilespmem:v9+s4+$0x0], $0xffff;
	[tilespmem:s2+$0x0] =	vst v10  }
0x13b: {  	s18 =	sadd.s32 $0x19C08, s19;
	s17 =	sor.u32 s30, s16;
	v10 =	vadd.s32 $0x4, v6;
	v11 =	vld.idx.msk [tilespmem:v11+s4+$0x0], $0xffff  }
0x13c: {  	v14 =	vadd.s32 $0x9, v3;
	s20 =	sor.u32 s13, s18;
	v1 =	vmul.u32 $0x11, v12;
	[tilespmem:s17+$0x0] =	vst v7  }
0x13d: {  	v7 =	vld.idx.msk [tilespmem:v8+s4+$0x0], $0xffff;
	[tilespmem:s20+$0x0] =	vst v2  }
0x13e: {  	s3 =	sor.u32 s28, s16;
	v8 =	vmul.u32 $0x11, v13;
	v2 =	vld.idx.msk [tilespmem:v5+s4+$0x0], $0xffff;
	v5 =	vadd.s32 $0x5, v0  }
0x13f: {  	s7 =	sor.u32 s6, s18;
	[tilespmem:s3+$0x0] =	vst v9  }
0x140: {  	s8 =	sadd.s32 $0x18E08, s29;
	v9 =	vadd.s32 $0xA, v4;
	v10 =	vld.idx.msk [tilespmem:v10+s4+$0x0], $0xffff;
	[tilespmem:s7+$0x0] =	vst v11  }
0x141: {  	s9 =	sor.u32 s30, s8;
	v12 =	vld.idx.msk [tilespmem:v14+s4+$0x0], $0xffff  }
0x142: {  	s10 =	sadd.s32 $0x19C88, s19;
	v11 =	vadd.s32 $0x5, v6;
	v14 =	vld.idx.msk [tilespmem:v1+s4+$0x0], $0xffff;
	[tilespmem:s9+$0x0] =	vst v7  }
0x143: {  	s11 =	sor.u32 s13, s10;
	v13 =	vadd.s32 $0xA, v3;
	v5 =	vld.idx.msk [tilespmem:v5+s4+$0x0], $0xffff  }
0x144: {  	[tilespmem:s11+$0x0] =	vst v2;
	v2 =	vadd.s32 $0x1, v1;
	v15 =	vld.idx.msk [tilespmem:v8+s4+$0x0], $0xffff  }
0x145: {  	s2 =	sor.u32 s28, s8;
	v7 =	vld.idx.msk [tilespmem:v9+s4+$0x0], $0xffff;
	v9 =	vadd.s32 $0x6, v0  }
0x146: {  	s12 =	sor.u32 s6, s10;
	s14 =	sadd.s32 $0x18C08, s0;
	v16 =	vadd.s32 $0x1, v8;
	[tilespmem:s2+$0x0] =	vst v10  }
0x147: {  	s16 =	sadd.s32 $0x18E88, s29;
	s15 =	sor.u32 s1, s14;
	v10 =	vadd.s32 $0xB, v4;
	v11 =	vld.idx.msk [tilespmem:v11+s4+$0x0], $0xffff;
	[tilespmem:s12+$0x0] =	vst v12  }
0x148: {  	s17 =	sor.u32 s30, s16;
	[tilespmem:s15+$0x0] =	vst v14;
	v13 =	vld.idx.msk [tilespmem:v13+s4+$0x0], $0xffff  }
0x149: {  	s18 =	sadd.s32 $0x19D08, s19;
	s7 =	sor.u32 s31, s14;
	v12 =	vadd.s32 $0x6, v6;
	v2 =	vld.idx.msk [tilespmem:v2+s4+$0x0], $0xffff;
	[tilespmem:s17+$0x0] =	vst v5  }
0x14a: {  	s20 =	sor.u32 s13, s18;
	v14 =	vadd.s32 $0xB, v3;
	[tilespmem:s7+$0x0] =	vst v15;
	v5 =	vld.idx.msk [tilespmem:v9+s4+$0x0], $0xffff  }
0x14b: {  	[tilespmem:s20+$0x0] =	vst v7;
	v7 =	vadd.s32 $0x2, v1;
	v15 =	vld.idx.msk [tilespmem:v16+s4+$0x0], $0xffff  }
0x14c: {  	s9 =	sor.u32 s28, s16;
	v9 =	vld.idx.msk [tilespmem:v10+s4+$0x0], $0xffff;
	v10 =	vadd.s32 $0x7, v0  }
0x14d: {  	s10 =	sadd.s32 $0x18C88, s0;
	s3 =	sor.u32 s6, s18;
	[tilespmem:s9+$0x0] =	vst v11;
	v16 =	vadd.s32 $0x2, v8  }
0x14e: {  	s11 =	sor.u32 s1, s10;
	s12 =	sadd.s32 $0x18F08, s29;
	v11 =	vadd.s32 $0xC, v4;
	v12 =	vld.idx.msk [tilespmem:v12+s4+$0x0], $0xffff;
	[tilespmem:s3+$0x0] =	vst v13  }
0x14f: {  	s14 =	sor.u32 s30, s12;
	v13 =	vadd.s32 $0x7, v6;
	[tilespmem:s11+$0x0] =	vst v2;
	v2 =	vld.idx.msk [tilespmem:v14+s4+$0x0], $0xffff  }
0x150: {  	s8 =	simm.s32 $0x60;
	s7 =	sor.u32 s31, s10;
	s3 =	sadd.s32 $0x19D88, s19;
	v7 =	vld.idx.msk [tilespmem:v7+s4+$0x0], $0xffff;
	[tilespmem:s14+$0x0] =	vst v5  }
0x151: {  	s16 =	sor.u32 s28, s12;
	s10 =	simm.s32 $0x300;
	s15 =	sor.u32 s13, s3;
	[tilespmem:s7+$0x0] =	vst v15;
	v5 =	vld.idx.msk [tilespmem:v10+s4+$0x0], $0xffff  }
0x152: {  	s12 =	sand.u32 $0xC00, s10;
	s11 =	sand.u32 $0x60, s8;
	s14 =	rddreg [dreg:$0x5];
	[tilespmem:s15+$0x0] =	vst v9;
	v9 =	vadd.s32 $0x3, v1;
	v14 =	vld.idx.msk [tilespmem:v16+s4+$0x0], $0xffff  }
0x153: {  	s9 =	sadd.s32 $0x18D08, s0;
	s7 =	sor.u32 $0x10, s11;
	[tilespmem:s16+$0x0] =	vst v12;
	s14 =	sadd.s32 s12, s14;
	v10 =	vld.idx.msk [tilespmem:v11+s4+$0x0], $0xffff;
	v11 =	vadd.s32 $0x8, v0  }
0x154: {  	s2 =	sadd.s32 $0x18F88, s29;
	s17 =	sor.u32 s1, s9;
	v15 =	vadd.s32 $0x3, v8;
	v13 =	vld.idx.msk [tilespmem:v13+s4+$0x0], $0xffff;
	s15 =	sadd.s32 s7, s14  }
0x155: {  	s18 =	sor.u32 s30, s2;
	v12 =	vadd.s32 $0xD, v4;
	s14 =	sadd.s32 s11, s14;
	v16 =	vld [tilespmem:s15+$0x0];
	[tilespmem:s17+$0x0] =	vst v7  }
0x156: {  	s9 =	sor.u32 s31, s9;
	s16 =	sadd.s32 $0x19E08, s19;
	v17 =	vld [tilespmem:s14+$0x0];
	v7 =	vadd.s32 $0x8, v6;
	[tilespmem:s18+$0x0] =	vst v5  }
0x157: {  	s20 =	sor.u32 s13, s16;
	v9 =	vld.idx.msk [tilespmem:v9+s4+$0x0], $0xffff;
	v5 =	vadd.s32 $0xC, v3;
	[tilespmem:s9+$0x0] =	vst v14  }
0x158: {  	v11 =	vld.idx.msk [tilespmem:v11+s4+$0x0], $0xffff;
	[tilespmem:s20+$0x0] =	vst v10;
	v10 =	vadd.s32 $0x4, v1  }
0x159: {  	s2 =	sor.u32 s28, s2;
	v14 =	vadd.s32 $0x9, v0;
	v15 =	vld.idx.msk [tilespmem:v15+s4+$0x0], $0xffff  }
0x15a: {  	v18 =	vadd.s32 $0x4, v8;
	s3 =	sor.u32 s6, s3;
	s9 =	sadd.s32 $0x18D88, s0;
	[tilespmem:s2+$0x0] =	vst v13;
	v12 =	vld.idx.msk [tilespmem:v12+s4+$0x0], $0xffff  }
0x15b: {  	[tilespmem:s3+$0x0] =	vst v2;
	s17 =	sadd.s32 $0x19C08, s29;
	v13 =	vadd.s32 $0xE, v4;
	s15 =	sor.u32 s1, s9;
	v2 =	vmul.u32 $0x11, v16;
	v7 =	vld.idx.msk [tilespmem:v7+s4+$0x0], $0xffff  }
0x15c: {  	s18 =	sor.u32 s30, s17;
	v59 =	vmul.u32 $0x11, v17;
	[tilespmem:s15+$0x0] =	vst v9;
	v5 =	vld.idx.msk [tilespmem:v5+s4+$0x0], $0xffff  }
0x15d: {  	s2 =	sadd.s32 $0x19E88, s19;
	s9 =	sor.u32 s31, s9;
	v9 =	vld.idx.msk [tilespmem:v10+s4+$0x0], $0xffff;
	[tilespmem:s18+$0x0] =	vst v11  }
0x15e: {  	v19 =	vadd.s32 $0x9, v6;
	s20 =	sor.u32 s13, s2;
	[tilespmem:s9+$0x0] =	vst v15;
	v10 =	vld.idx.msk [tilespmem:v14+s4+$0x0], $0xffff  }
0x15f: {  	v21 =	vadd.s32 $0xD, v3;
	[tilespmem:s20+$0x0] =	vst v12;
	v15 =	vld.idx.msk [tilespmem:v18+s4+$0x0], $0xffff  }
0x160: {  	s3 =	sor.u32 s28, s17;
	v11 =	vadd.s32 $0x5, v1;
	v13 =	vld.idx.msk [tilespmem:v13+s4+$0x0], $0xffff  }
0x161: {  	s16 =	sor.u32 s6, s16;
	s14 =	sadd.s32 $0x18E08, s0;
	v14 =	vadd.s32 $0xA, v0;
	v18 =	vld.idx.msk [tilespmem:v2+s4+$0x0], $0xffff;
	[tilespmem:s3+$0x0] =	vst v7  }
0x162: {  	s17 =	sadd.s32 $0x19C88, s29;
	v17 =	vadd.s32 $0x5, v8;
	s15 =	sor.u32 s1, s14;
	v25 =	vld.idx.msk [tilespmem:v59+s4+$0x0], $0xffff;
	[tilespmem:s16+$0x0] =	vst v5  }
0x163: {  	s18 =	sor.u32 s30, s17;
	v7 =	vadd.s32 $0xF, v4;
	v16 =	vld.idx.msk [tilespmem:v19+s4+$0x0], $0xffff;
	[tilespmem:s15+$0x0] =	vst v9  }
0x164: {  	v60 =	vadd.s32 $0xB, v6;
	v26 =	vadd.s32 $0xB, v0;
	s9 =	sor.u32 s31, s14;
	s3 =	sadd.s32 $0x19F08, s19;
	v9 =	vadd.s32 $0xA, v6;
	v32 =	vld.idx.msk [tilespmem:v21+s4+$0x0], $0xffff;
	[tilespmem:s18+$0x0] =	vst v10  }
0x165: {  	v35 =	vadd.s32 $0xC, v0;
	v23 =	vadd.s32 $0x6, v1;
	s20 =	sor.u32 s13, s3;
	s15 =	sadd.s32 $0x18C08, s12;
	v20 =	vld.idx.msk [tilespmem:v11+s4+$0x0], $0xffff;
	v10 =	vadd.s32 $0x1, v2;
	[tilespmem:s9+$0x0] =	vst v15  }
0x166: {  	v37 =	vadd.s32 $0x7, v1;
	v61 =	vadd.s32 $0x6, v8;
	v22 =	vadd.s32 $0x7, v8;
	s14 =	sor.u32 s28, s17;
	s17 =	sor.u32 s7, s15;
	v14 =	vld.idx.msk [tilespmem:v14+s4+$0x0], $0xffff;
	[tilespmem:s20+$0x0] =	vst v13  }
0x167: {  	v62 =	vadd.s32 $0x1, v59;
	v31 =	vadd.s32 $0x2, v59;
	v41 =	vadd.s32 $0x2, v2;
	v17 =	vld.idx.msk [tilespmem:v17+s4+$0x0], $0xffff;
	[tilespmem:s17+$0x0] =	vst v18  }
0x168: {  	v29 =	vadd.s32 $0x3, v59;
	v27 =	vadd.s32 $0x4, v59;
	v30 =	vadd.s32 $0x7, v59;
	s16 =	sadd.s32 $0x18E88, s0;
	s15 =	sor.u32 s11, s15;
	v24 =	vld.idx.msk [tilespmem:v7+s4+$0x0], $0xffff;
	[tilespmem:s14+$0x0] =	vst v16  }
0x169: {  	v28 =	vadd.s32 $0x8, v59;
	v12 =	vadd.s32 $0xE, v3;
	v4 =	vadd.s32 $0xF, v3;
	s18 =	sor.u32 s1, s16;
	[tilespmem:s15+$0x0] =	vst v25;
	s14 =	sadd.s32 $0x19D08, s29;
	v9 =	vld.idx.msk [tilespmem:v9+s4+$0x0], $0xffff  }
0x16a: {  	v3 =	vadd.s32 $0xF, v6;
	v5 =	vadd.s32 $0xE, v6;
	v19 =	vadd.s32 $0x8, v8;
	s20 =	sor.u32 s30, s14;
	v63 =	vld.idx.msk [tilespmem:v10+s4+$0x0], $0xffff;
	[tilespmem:s18+$0x0] =	vst v20  }
0x16b: {  	v21 =	vadd.s32 $0xC, v59;
	v11 =	vadd.s32 $0xC, v6;
	v15 =	vadd.s32 $0xB, v8;
	s17 =	sadd.s32 $0x19F88, s19;
	s18 =	sor.u32 s31, s16;
	[tilespmem:s20+$0x0] =	vst v14;
	v40 =	vld.idx.msk [tilespmem:v23+s4+$0x0], $0xffff  }
0x16c: {  	s2 =	sor.u32 s6, s2;
	s9 =	simm.s32 $0x6;
	v18 =	vadd.s32 $0x9, v8;
	v13 =	vadd.s32 $0xC, v8;
	v25 =	vadd.s32 $0x6, v59;
	s13 =	sor.u32 s13, s17;
	v38 =	vld.idx.msk [tilespmem:v62+s4+$0x0], $0xffff;
	[tilespmem:s18+$0x0] =	vst v17  }
0x16d: {  	v7 =	vadd.s32 $0xD, v6;
	v6 =	vadd.s32 $0xE, v8;
	v16 =	vadd.s32 $0xA, v8;
	s19 =	sor.u32 s28, s14;
	s20 =	sadd.s32 $0x18C88, s12;
	v33 =	vld.idx.msk [tilespmem:v26+s4+$0x0], $0xffff;
	[tilespmem:s13+$0x0] =	vst v24;
	s13 =	sor.u32 s6, s3  }
0x16e: {  	v10 =	vadd.s32 $0xD, v8;
	v8 =	vadd.s32 $0xF, v8;
	v20 =	vadd.s32 $0xA, v59;
	s6 =	sor.u32 s6, s17;
	s16 =	sor.u32 s7, s20;
	v36 =	vld.idx.msk [tilespmem:v61+s4+$0x0], $0xffff;
	s17 =	sadd.s32 $0x18F08, s0;
	[tilespmem:s19+$0x0] =	vst v9  }
0x16f: {  	v23 =	vadd.s32 $0x9, v59;
	v17 =	vadd.s32 $0xB, v59;
	v14 =	vadd.s32 $0xD, v59;
	s18 =	sor.u32 s11, s20;
	s20 =	sadd.s32 $0x19D88, s29;
	s19 =	sor.u32 s1, s17;
	[tilespmem:s16+$0x0] =	vst v63;
	v34 =	vld.idx.msk [tilespmem:v60+s4+$0x0], $0xffff  }
0x170: {  	v26 =	vadd.s32 $0x5, v59;
	v24 =	vadd.s32 $0xE, v59;
	s3 =	sor.u32 s28, s20;
	s15 =	sor.u32 s30, s20;
	v9 =	vadd.s32 $0xF, v59;
	s16 =	sor.u32 s31, s17;
	v39 =	vld.idx.msk [tilespmem:v41+s4+$0x0], $0xffff;
	[tilespmem:s19+$0x0] =	vst v40  }
.LBB2_6:
0x171: {  	_ =	sdelay $0x2  }
0x172: {  	v37 =	vld.idx.msk [tilespmem:v37+s4+$0x0], $0xffff;
	[tilespmem:s15+$0x0] =	vst v33  }
0x173: {  	[tilespmem:s2+$0x0] =	vst v32  }
0x174: {  	s8 =	sadd.s32 $0x20, s8;
	v45 =	vadd.s32 $0x3, v2;
	s10 =	sadd.s32 $0x100, s10;
	v35 =	vld.idx.msk [tilespmem:v35+s4+$0x0], $0xffff;
	[tilespmem:s18+$0x0] =	vst v38  }
0x175: {  	s14 =	rddreg [dreg:$0x5];
	v46 =	vadd.s32 $0x8, v1;
	s19 =	sand.u32 $0x60, s8;
	s17 =	sand.u32 $0xC00, s10;
	v38 =	vld.idx.msk [tilespmem:v12+s4+$0x0], $0xffff  }
0x176: {  	s2 =	sadd.s32 $0x18D08, s12;
	s18 =	sadd.s32 s17, s14;
	s14 =	sor.u32 $0x10, s19;
	v12 =	vmovc v5;
	v5 =	vmov v6;
	v6 =	vmov v24;
	v24 =	vld.idx.msk [tilespmem:v31+s4+$0x0], $0xffff;
	[tilespmem:s16+$0x0] =	vst v36;
	v31 =	vadd.s32 $0xD, v0  }
0x177: {  	s15 =	sadd.s32 $0x18F88, s0;
	s20 =	sor.u32 s7, s2;
	s16 =	sadd.s32 s14, s18;
	v36 =	vld.idx.msk [tilespmem:v22+s4+$0x0], $0xffff;
	[tilespmem:s3+$0x0] =	vst v34  }
0x178: {  	v22 =	vmov v30;
	v30 =	vld [tilespmem:s16+$0x0];
	[tilespmem:s20+$0x0] =	vst v39;
	s20 =	sor.u32 s1, s15;
	s16 =	sadd.s32 $0x19E08, s29  }
0x179: {  	v33 =	vld.idx.msk [tilespmem:v45+s4+$0x0], $0xffff;
	[tilespmem:s20+$0x0] =	vst v37;
	s20 =	sor.u32 s30, s16  }
0x17a: {  	v32 =	vld.idx.msk [tilespmem:v46+s4+$0x0], $0xffff;
	[tilespmem:s20+$0x0] =	vst v35  }
0x17b: {  	v47 =	vadd.s32 $0x4, v2;
	s2 =	sor.u32 s11, s2;
	s18 =	sadd.s32 s19, s18;
	v31 =	vld.idx.msk [tilespmem:v31+s4+$0x0], $0xffff;
	[tilespmem:s13+$0x0] =	vst v38  }
0x17c: {  	s15 =	sor.u32 s31, s15;
	v48 =	vld [tilespmem:s18+$0x0];
	[tilespmem:s2+$0x0] =	vst v24;
	v24 =	vadd.s32 $0x9, v1  }
0x17d: {  	v49 =	vadd.s32 $0xE, v0;
	s20 =	sadd.s32 $0x19C08, s0;
	s18 =	sadd.s32 $0x18D88, s12;
	v29 =	vld.idx.msk [tilespmem:v29+s4+$0x0], $0xffff;
	[tilespmem:s15+$0x0] =	vst v36  }
0x17e: {  	s3 =	sor.u32 s28, s16;
	s16 =	sor.u32 s31, s20;
	s2 =	sor.u32 s7, s18;
	v50 =	vld.idx.msk [tilespmem:v19+s4+$0x0], $0xffff  }
0x17f: {  	s13 =	sor.u32 s11, s18;
	s18 =	sor.u32 s1, s20;
	s20 =	sadd.s32 $0x19E88, s29;
	v19 =	vmov v28;
	[tilespmem:s2+$0x0] =	vst v33;
	v28 =	vld.idx.msk [tilespmem:v11+s4+$0x0], $0xffff  }
0x180: {  	v11 =	vmov v13;
	v13 =	vmov v21;
	v21 =	vmul.u32 $0x11, v30;
	s15 =	sor.u32 s30, s20;
	v33 =	vld.idx.msk [tilespmem:v47+s4+$0x0], $0xffff;
	[tilespmem:s18+$0x0] =	vst v32  }
0x181: {  	v24 =	vld.idx.msk [tilespmem:v24+s4+$0x0], $0xffff;
	[tilespmem:s15+$0x0] =	vst v31  }
0x182: {  	v52 =	vadd.s32 $0x5, v2;
	v53 =	vld.idx.msk [tilespmem:v49+s4+$0x0], $0xffff;
	[tilespmem:s13+$0x0] =	vst v29  }
0x183: {  	v55 =	vadd.s32 $0xA, v1;
	v56 =	vld.idx.msk [tilespmem:v4+s4+$0x0], $0xffff  }
0x184: {  	v57 =	vadd.s32 $0xF, v0;
	s2 =	sor.u32 s28, s20;
	s18 =	sadd.s32 $0x18E08, s12;
	v51 =	vmul.u32 $0x11, v48;
	v40 =	vld.idx.msk [tilespmem:v27+s4+$0x0], $0xffff;
	[tilespmem:s16+$0x0] =	vst v50  }
0x185: {  	s20 =	sadd.s32 $0x19C88, s0;
	s15 =	sor.u32 s11, s18;
	s13 =	sor.u32 s7, s18;
	v43 =	vld.idx.msk [tilespmem:v18+s4+$0x0], $0xffff;
	[tilespmem:s3+$0x0] =	vst v28  }
0x186: {  	v0 =	vmov v1;
	v1 =	vmov v2;
	v2 =	vmov v21;
	s18 =	sor.u32 s1, s20;
	v45 =	vld.idx.msk [tilespmem:v21+s4+$0x0], $0xffff;
	[tilespmem:s13+$0x0] =	vst v33;
	s3 =	sor.u32 s31, s20;
	s20 =	sadd.s32 $0x19F08, s29  }
0x187: {  	v58 =	vadd.s32 $0x1, v2;
	v33 =	vld.idx.msk [tilespmem:v52+s4+$0x0], $0xffff;
	s16 =	sor.u32 s30, s20;
	[tilespmem:s18+$0x0] =	vst v24  }
0x188: {  	v38 =	vld.idx.msk [tilespmem:v55+s4+$0x0], $0xffff;
	[tilespmem:s16+$0x0] =	vst v53  }
0x189: {  	s9 =	sadd.s32 $0x2, s9;
	v59 =	vadd.s32 $0x6, v1;
	s18 =	sadd.s32 $0x18C08, s17;
	v37 =	vld.idx.msk [tilespmem:v57+s4+$0x0], $0xffff;
	[tilespmem:s6+$0x0] =	vst v56  }
0x18a: {  	p0 =	slt.u32 s9, $0x1E;
	v60 =	vadd.s32 $0xB, v0;
	s13 =	sor.u32 s28, s20;
	s6 =	sor.u32 s14, s18;
	v32 =	vld.idx.msk [tilespmem:v51+s4+$0x0], $0xffff;
	[tilespmem:s15+$0x0] =	vst v40  }
0x18b: {  	s20 =	sadd.s32 $0x18E88, s12;
	s15 =	sor.u32 s19, s18;
	[tilespmem:s6+$0x0] =	vst v45;
	s18 =	sadd.s32 $0x19D08, s0;
	v40 =	vld.idx.msk [tilespmem:v26+s4+$0x0], $0xffff  }
0x18c: {  	v54 =	vadd.s32 $0x1, v51;
	s16 =	sor.u32 s7, s20;
	[tilespmem:s3+$0x0] =	vst v43;
	s3 =	sor.u32 s11, s20;
	v34 =	vld.idx.msk [tilespmem:v58+s4+$0x0], $0xffff;
	s20 =	sor.u32 s31, s18  }
0x18d: {  	v35 =	vadd.s32 $0xC, v0;
	[tilespmem:s16+$0x0] =	vst v33;
	s16 =	sor.u32 s1, s18;
	s18 =	sadd.s32 $0x19F88, s29;
	s29 =	smov.u32 s0;
	v61 =	vld.idx.msk [tilespmem:v16+s4+$0x0], $0xffff  }
0x18e: {  	v63 =	vadd.s32 $0x2, v2;
	v31 =	vadd.s32 $0x2, v51;
	v29 =	vadd.s32 $0x3, v51;
	s0 =	smov.u32 s12;
	s12 =	smov.u32 s17;
	v62 =	vld.idx.msk [tilespmem:v59+s4+$0x0], $0xffff;
	s6 =	sor.u32 s28, s18;
	[tilespmem:s16+$0x0] =	vst v38  }
0x18f: {  	v27 =	vadd.s32 $0x4, v51;
	v41 =	vadd.s32 $0x5, v51;
	v42 =	vadd.s32 $0x6, v51;
	s28 =	smov.u32 s31;
	s31 =	smov.u32 s11;
	s16 =	sor.u32 s30, s18;
	v33 =	vld.idx.msk [tilespmem:v60+s4+$0x0], $0xffff;
	[tilespmem:s15+$0x0] =	vst v32  }
.Ltmp1:
0x190: {  	v4 =	vmovc v3;
	v30 =	vadd.s32 $0x7, v51;
	v44 =	vadd.s32 $0xA, v51;
	v46 =	vadd.s32 $0xB, v51;
	s11 =	smov.u32 s19;
	s19 =	sadd.s32 $0x18C88, s12;
	[tilespmem:s16+$0x0] =	vst v37;
	v32 =	vld.idx.msk [tilespmem:v7+s4+$0x0], $0xffff;
	(pc) =	sbr.rel @p0 .LBB2_6-.Ltmp1, $4  }
0x191: {  	v3 =	vmovc v8;
	v8 =	vmovc v9;
	v47 =	vadd.s32 $0xD, v51;
	v9 =	vadd.s32 $0xF, v51;
	v28 =	vadd.s32 $0x8, v51;
	s17 =	sadd.s32 $0x18F08, s0;
	s16 =	sor.u32 s14, s19;
	v38 =	vld.idx.msk [tilespmem:v54+s4+$0x0], $0xffff;
	[tilespmem:s3+$0x0] =	vst v40  }
0x192: {  	v18 =	vmovc v23;
	v23 =	vadd.s32 $0x9, v51;
	v21 =	vadd.s32 $0xC, v51;
	v24 =	vadd.s32 $0xE, v51;
	s30 =	smov.u32 s1;
	s1 =	smov.u32 s7;
	s18 =	sor.u32 s11, s19;
	[tilespmem:s16+$0x0] =	vst v34;
	v36 =	vld.idx.msk [tilespmem:v25+s4+$0x0], $0xffff  }
0x193: {  	v26 =	vmovc v41;
	v16 =	vmovc v20;
	v20 =	vmov v44;
	s7 =	smov.u32 s14;
	v37 =	vadd.s32 $0x7, v1;
	s19 =	sor.u32 s1, s17;
	v7 =	vmov v10;
	[tilespmem:s20+$0x0] =	vst v61;
	s20 =	sadd.s32 $0x19D88, s29;
	v39 =	vld.idx.msk [tilespmem:v63+s4+$0x0], $0xffff  }
0x194: {  	v10 =	vmovc v14;
	v14 =	vmovc v47;
	s16 =	sor.u32 s31, s17;
	v25 =	vmov v42;
	[tilespmem:s19+$0x0] =	vst v62;
	v34 =	vld.idx.msk [tilespmem:v15+s4+$0x0], $0xffff;
	v15 =	vmov v17;
	v17 =	vmov v46;
	s3 =	sor.u32 s28, s20;
	s15 =	sor.u32 s30, s20  }
0x195: {  	_ =	sdelay $0x2  }
0x196: {  	[tilespmem:s18+$0x0] =	vst v38  }
0x197: {  	v55 =	vadd.s32 $0x3, v2;
	v31 =	vld.idx.msk [tilespmem:v31+s4+$0x0], $0xffff;
	_ =	sdelay $0x1  }
0x198: {  	s8 =	sadd.s32 $0x18D08, s12  }
0x199: {  	s9 =	sor.u32 s7, s8  }
0x19a: {  	s8 =	sor.u32 s11, s8;
	[tilespmem:s9+$0x0] =	vst v39  }
0x19b: {  	v38 =	vld.idx.msk [tilespmem:v55+s4+$0x0], $0xffff;
	[tilespmem:s8+$0x0] =	vst v31  }
0x19c: {  	v56 =	vadd.s32 $0x4, v2;
	v29 =	vld.idx.msk [tilespmem:v29+s4+$0x0], $0xffff;
	_ =	sdelay $0x1  }
0x19d: {  	s19 =	sadd.s32 $0x18D88, s12  }
0x19e: {  	s20 =	sor.u32 s7, s19  }
0x19f: {  	s8 =	sor.u32 s11, s19;
	[tilespmem:s20+$0x0] =	vst v38  }
0x1a0: {  	v31 =	vld.idx.msk [tilespmem:v56+s4+$0x0], $0xffff;
	[tilespmem:s8+$0x0] =	vst v29  }
0x1a1: {  	v57 =	vadd.s32 $0x5, v2;
	v27 =	vld.idx.msk [tilespmem:v27+s4+$0x0], $0xffff;
	_ =	sdelay $0x1  }
0x1a2: {  	s10 =	sadd.s32 $0x18E08, s12  }
0x1a3: {  	s14 =	sor.u32 s7, s10  }
0x1a4: {  	s8 =	sor.u32 s11, s10;
	[tilespmem:s14+$0x0] =	vst v31  }
0x1a5: {  	v29 =	vld.idx.msk [tilespmem:v57+s4+$0x0], $0xffff;
	[tilespmem:s8+$0x0] =	vst v27  }
0x1a6: {  	v58 =	vadd.s32 $0x6, v2;
	v26 =	vld.idx.msk [tilespmem:v26+s4+$0x0], $0xffff;
	_ =	sdelay $0x1  }
0x1a7: {  	s17 =	sadd.s32 $0x18E88, s12  }
0x1a8: {  	s18 =	sor.u32 s7, s17  }
0x1a9: {  	s8 =	sor.u32 s11, s17;
	[tilespmem:s18+$0x0] =	vst v29  }
0x1aa: {  	v27 =	vld.idx.msk [tilespmem:v58+s4+$0x0], $0xffff;
	[tilespmem:s8+$0x0] =	vst v26  }
0x1ab: {  	v59 =	vadd.s32 $0x7, v2;
	v25 =	vld.idx.msk [tilespmem:v25+s4+$0x0], $0xffff;
	_ =	sdelay $0x1  }
0x1ac: {  	s19 =	sadd.s32 $0x18F08, s12  }
0x1ad: {  	v60 =	vld.idx.msk [tilespmem:v37+s4+$0x0], $0xffff;
	[tilespmem:s16+$0x0] =	vst v36;
	s20 =	sor.u32 s7, s19  }
0x1ae: {  	v61 =	vadd.s32 $0x8, v1;
	v22 =	vld.idx.msk [tilespmem:v22+s4+$0x0], $0xffff;
	s8 =	sor.u32 s11, s19;
	[tilespmem:s20+$0x0] =	vst v27  }
0x1af: {  	v26 =	vld.idx.msk [tilespmem:v59+s4+$0x0], $0xffff;
	[tilespmem:s8+$0x0] =	vst v25  }
0x1b0: {  	v62 =	vadd.s32 $0x8, v2;
	s9 =	sadd.s32 $0x18F88, s0;
	v63 =	vld.idx.msk [tilespmem:v30+s4+$0x0], $0xffff  }
0x1b1: {  	s10 =	sor.u32 s1, s9  }
0x1b2: {  	[tilespmem:s10+$0x0] =	vst v60;
	s14 =	sadd.s32 $0x18F88, s12;
	s8 =	sor.u32 s31, s9  }
0x1b3: {  	s16 =	sor.u32 s7, s14;
	v29 =	vld.idx.msk [tilespmem:v61+s4+$0x0], $0xffff;
	[tilespmem:s8+$0x0] =	vst v22  }
0x1b4: {  	s9 =	sor.u32 s11, s14;
	v30 =	vadd.s32 $0x9, v1;
	v19 =	vld.idx.msk [tilespmem:v19+s4+$0x0], $0xffff;
	[tilespmem:s16+$0x0] =	vst v26  }
0x1b5: {  	v25 =	vld.idx.msk [tilespmem:v62+s4+$0x0], $0xffff;
	[tilespmem:s9+$0x0] =	vst v63  }
0x1b6: {  	v31 =	vadd.s32 $0x9, v2;
	s17 =	sadd.s32 $0x19C08, s0;
	v27 =	vld.idx.msk [tilespmem:v28+s4+$0x0], $0xffff  }
0x1b7: {  	s18 =	sor.u32 s1, s17  }
0x1b8: {  	s19 =	sadd.s32 $0x19C08, s12;
	[tilespmem:s18+$0x0] =	vst v29;
	s8 =	sor.u32 s31, s17  }
0x1b9: {  	s20 =	sor.u32 s7, s19;
	v22 =	vld.idx.msk [tilespmem:v30+s4+$0x0], $0xffff;
	[tilespmem:s8+$0x0] =	vst v19  }
0x1ba: {  	v36 =	vadd.s32 $0xA, v1;
	s9 =	sor.u32 s11, s19;
	v18 =	vld.idx.msk [tilespmem:v18+s4+$0x0], $0xffff;
	[tilespmem:s20+$0x0] =	vst v25  }
0x1bb: {  	v25 =	vld.idx.msk [tilespmem:v31+s4+$0x0], $0xffff;
	[tilespmem:s9+$0x0] =	vst v27  }
0x1bc: {  	v37 =	vadd.s32 $0xA, v2;
	[tilespmem:s15+$0x0] =	vst v33;
	s9 =	sadd.s32 $0x19C88, s0;
	v23 =	vld.idx.msk [tilespmem:v23+s4+$0x0], $0xffff  }
0x1bd: {  	[tilespmem:s2+$0x0] =	vst v32;
	s10 =	sor.u32 s1, s9  }
0x1be: {  	v12 =	vld.idx.msk [tilespmem:v12+s4+$0x0], $0xffff;
	s14 =	sadd.s32 $0x19C88, s12;
	s8 =	sor.u32 s31, s9;
	[tilespmem:s10+$0x0] =	vst v22  }
0x1bf: {  	s15 =	sor.u32 s7, s14;
	[tilespmem:s8+$0x0] =	vst v18;
	v19 =	vld.idx.msk [tilespmem:v36+s4+$0x0], $0xffff  }
0x1c0: {  	v38 =	vadd.s32 $0xB, v1;
	s9 =	sor.u32 s11, s14;
	v16 =	vld.idx.msk [tilespmem:v16+s4+$0x0], $0xffff;
	[tilespmem:s15+$0x0] =	vst v25  }
0x1c1: {  	v39 =	vld.idx.msk [tilespmem:v37+s4+$0x0], $0xffff;
	[tilespmem:s9+$0x0] =	vst v23  }
0x1c2: {  	v40 =	vadd.s32 $0xB, v2;
	[tilespmem:s3+$0x0] =	vst v34;
	s16 =	sadd.s32 $0x19D08, s0;
	v20 =	vld.idx.msk [tilespmem:v20+s4+$0x0], $0xffff  }
0x1c3: {  	[tilespmem:s13+$0x0] =	vst v12;
	s17 =	sor.u32 s1, s16  }
0x1c4: {  	v4 =	vld.idx.msk [tilespmem:v4+s4+$0x0], $0xffff;
	s18 =	sadd.s32 $0x19D08, s12;
	s2 =	sor.u32 s31, s16;
	[tilespmem:s17+$0x0] =	vst v19  }
0x1c5: {  	s19 =	sor.u32 s7, s18;
	[tilespmem:s2+$0x0] =	vst v16;
	v18 =	vld.idx.msk [tilespmem:v38+s4+$0x0], $0xffff  }
0x1c6: {  	v43 =	vadd.s32 $0xC, v1;
	s3 =	sor.u32 s11, s18;
	v15 =	vld.idx.msk [tilespmem:v15+s4+$0x0], $0xffff;
	[tilespmem:s19+$0x0] =	vst v39  }
0x1c7: {  	v44 =	vld.idx.msk [tilespmem:v40+s4+$0x0], $0xffff;
	[tilespmem:s3+$0x0] =	vst v20  }
0x1c8: {  	v45 =	vadd.s32 $0xC, v2;
	s10 =	sadd.s32 $0x19D88, s0;
	v17 =	vld.idx.msk [tilespmem:v17+s4+$0x0], $0xffff  }
0x1c9: {  	v41 =	vld.idx.msk [tilespmem:v35+s4+$0x0], $0xffff;
	[tilespmem:s6+$0x0] =	vst v4;
	s14 =	sor.u32 s1, s10  }
0x1ca: {  	v42 =	vadd.s32 $0xD, v0;
	v11 =	vld.idx.msk [tilespmem:v11+s4+$0x0], $0xffff;
	s15 =	sadd.s32 $0x19D88, s12;
	s2 =	sor.u32 s31, s10;
	[tilespmem:s14+$0x0] =	vst v18  }
0x1cb: {  	s16 =	sor.u32 s7, s15;
	[tilespmem:s2+$0x0] =	vst v15;
	v16 =	vld.idx.msk [tilespmem:v43+s4+$0x0], $0xffff  }
0x1cc: {  	v48 =	vadd.s32 $0xD, v1;
	s20 =	sadd.s32 $0x19E08, s29;
	s3 =	sor.u32 s11, s15;
	v13 =	vld.idx.msk [tilespmem:v13+s4+$0x0], $0xffff;
	[tilespmem:s16+$0x0] =	vst v44  }
0x1cd: {  	s9 =	sor.u32 s30, s20;
	v49 =	vld.idx.msk [tilespmem:v45+s4+$0x0], $0xffff;
	[tilespmem:s3+$0x0] =	vst v17  }
0x1ce: {  	v50 =	vadd.s32 $0xD, v2;
	[tilespmem:s9+$0x0] =	vst v41;
	s19 =	sor.u32 s28, s20;
	s20 =	sadd.s32 $0x19E08, s0;
	v51 =	vld.idx.msk [tilespmem:v21+s4+$0x0], $0xffff  }
0x1cf: {  	v46 =	vld.idx.msk [tilespmem:v42+s4+$0x0], $0xffff;
	[tilespmem:s19+$0x0] =	vst v11;
	s8 =	sor.u32 s1, s20  }
0x1d0: {  	v47 =	vadd.s32 $0xE, v0;
	s10 =	sadd.s32 $0x19E08, s12;
	v7 =	vld.idx.msk [tilespmem:v7+s4+$0x0], $0xffff;
	s2 =	sor.u32 s31, s20;
	[tilespmem:s8+$0x0] =	vst v16  }
0x1d1: {  	s13 =	sor.u32 s7, s10;
	[tilespmem:s2+$0x0] =	vst v13;
	v52 =	vld.idx.msk [tilespmem:v48+s4+$0x0], $0xffff  }
0x1d2: {  	v53 =	vadd.s32 $0xE, v1;
	s17 =	sadd.s32 $0x19E88, s29;
	s3 =	sor.u32 s11, s10;
	v10 =	vld.idx.msk [tilespmem:v10+s4+$0x0], $0xffff;
	[tilespmem:s13+$0x0] =	vst v49  }
0x1d3: {  	s18 =	sor.u32 s30, s17;
	v54 =	vld.idx.msk [tilespmem:v50+s4+$0x0], $0xffff;
	[tilespmem:s3+$0x0] =	vst v51  }
0x1d4: {  	v55 =	vadd.s32 $0xE, v2;
	[tilespmem:s18+$0x0] =	vst v46;
	s16 =	sor.u32 s28, s17;
	s17 =	sadd.s32 $0x19E88, s0;
	v14 =	vld.idx.msk [tilespmem:v14+s4+$0x0], $0xffff  }
0x1d5: {  	v12 =	vld.idx.msk [tilespmem:v47+s4+$0x0], $0xffff;
	[tilespmem:s16+$0x0] =	vst v7;
	s18 =	sor.u32 s1, s17  }
0x1d6: {  	v56 =	vadd.s32 $0xF, v0;
	s19 =	sadd.s32 $0x19E88, s12;
	v5 =	vld.idx.msk [tilespmem:v5+s4+$0x0], $0xffff;
	s2 =	sor.u32 s31, s17;
	[tilespmem:s18+$0x0] =	vst v52  }
0x1d7: {  	s20 =	sor.u32 s7, s19;
	[tilespmem:s2+$0x0] =	vst v10;
	v57 =	vld.idx.msk [tilespmem:v53+s4+$0x0], $0xffff  }
0x1d8: {  	v58 =	vadd.s32 $0xF, v1;
	s14 =	sadd.s32 $0x19F08, s29;
	s3 =	sor.u32 s11, s19;
	v6 =	vld.idx.msk [tilespmem:v6+s4+$0x0], $0xffff;
	[tilespmem:s20+$0x0] =	vst v54  }
0x1d9: {  	s15 =	sor.u32 s30, s14;
	v59 =	vld.idx.msk [tilespmem:v55+s4+$0x0], $0xffff;
	[tilespmem:s3+$0x0] =	vst v14  }
0x1da: {  	v60 =	vadd.s32 $0xF, v2;
	s9 =	sadd.s32 $0x19F08, s0;
	[tilespmem:s15+$0x0] =	vst v12;
	s8 =	sor.u32 s28, s14;
	v61 =	vld.idx.msk [tilespmem:v24+s4+$0x0], $0xffff  }
0x1db: {  	s10 =	sor.u32 s1, s9;
	v0 =	vld.idx.msk [tilespmem:v56+s4+$0x0], $0xffff;
	[tilespmem:s8+$0x0] =	vst v5  }
0x1dc: {  	s13 =	sadd.s32 $0x19F08, s12;
	v3 =	vld.idx.msk [tilespmem:v3+s4+$0x0], $0xffff;
	s3 =	sor.u32 s31, s9;
	[tilespmem:s10+$0x0] =	vst v57  }
0x1dd: {  	s14 =	sor.u32 s7, s13;
	[tilespmem:s3+$0x0] =	vst v6;
	v1 =	vld.idx.msk [tilespmem:v58+s4+$0x0], $0xffff  }
0x1de: {  	s15 =	sadd.s32 $0x19F88, s29;
	s2 =	sor.u32 s11, s13;
	v62 =	vld.idx.msk [tilespmem:v8+s4+$0x0], $0xffff;
	[tilespmem:s14+$0x0] =	vst v59  }
0x1df: {  	s16 =	sor.u32 s30, s15;
	v2 =	vld.idx.msk [tilespmem:v60+s4+$0x0], $0xffff;
	[tilespmem:s2+$0x0] =	vst v61  }
0x1e0: {  	s25 =	sadd.s32 $0x1, s25;
	s17 =	sor.u32 s28, s15;
	[tilespmem:s16+$0x0] =	vst v0;
	s18 =	sadd.s32 $0x19F88, s0;
	v63 =	vld.idx.msk [tilespmem:v9+s4+$0x0], $0xffff  }
0x1e1: {  	p0 =	sne.s32 s25, $0x4;
	s28 =	sshll.u32 s26, $0x12;
	s19 =	sor.u32 s1, s18;
	[tilespmem:s17+$0x0] =	vst v3  }
.Ltmp2:
0x1e2: {  	s0 =	sor.u32 s31, s18;
	s20 =	sadd.s32 $0x19F88, s12;
	[tilespmem:s19+$0x0] =	vst v1;
	(pc) =	sbr.rel @p0 .LBB2_3-.Ltmp2, $4  }
0x1e3: {  	s29 =	sor.u32 s7, s20;
	s2 =	sor.u32 s24, s28;
	[tilespmem:s0+$0x0] =	vst v62  }
0x1e4: {  	s1 =	sor.u32 s11, s20;
	s30 =	sshrl.u32 s2, $0x3;
	[tilespmem:s29+$0x0] =	vst v2  }
0x1e5: {  	s31 =	simm.s32 $0x18C08;
	s0 =	sadd.s32 s21, s30;
	[tilespmem:s1+$0x0] =	vst v63  }
0x1e6: {  	[hbm4b:s0+s5] =	stream.strided.scatter [tilespmem:s31], [sflag:$0x1], $0x2000, s23, s5, $0x38;
	[tilespmem:$0x1AC08] =	vst v63  }
0x1e7: {  	s2 =	rddreg [dreg:$0xc]  }
0x1e8: {  	p0 =	sgt.u32 s2, $0x16  }
0x1e9: {  	s1 =	rddreg [dreg:$0x9];
	s0 =	sshll.u32 @!p0 s2, $0x11  }
0x1ea: {  	s0 =	sadd.s32 @!p0 s1, s0  }
0x1eb: {  	s1 =	rddreg [dreg:$0x1];
	s0 =	sshrl.u32 @!p0 s0, $0x3  }
0x1ec: {  	s2 =	sadd.s32 $0x1, s2;
	s0 =	sadd.s32 @!p0 s1, s0;
	s1 =	simm.s32 @!p0 $0x0  }
0x1ed: {  	[tilespmem:s22], [sflag:$0x2] =	stream.linear.gather @!p0 [hbm4b:s0+s1], $0x1000, $0x38;
	[tilespmem:$0x1AC08] =	vst v63  }
0x1ee: {  	p0 =	sne.s32 s2, $0x19  }
.Ltmp3:
0x1ef: {  	_ = 	snop;
	(pc) =	sbr.rel @p0 .LBB2_2-.Ltmp3, $1  }
0x1f0: {  	_ =	sdelay $0x3  }
0x1f1: {  	s1 =	simm.s32 $0x1  }
0x1f2: {  	_ =	swait.ge [sflag:s1], $0x2000  }
0x1f3: {  	[sflag:s1] =	ssyncset.done $0x0  }
0x1f4: {  	[sflag:s1] =	ssyncadd.s32 $0xFFFFE000  }
0x1f5: {  	_ =	swait.ge [sflag:s1], $0x2000  }
0x1f6: {  	s2 =	rddreg [dreg:$0xb]  }
0x1f7: {  	s0 =	rddreg [dreg:$0xa];
	s2 =	sadd.s32 $0x1, s2  }
0x1f8: {  	p0 =	sne.s32 s2, s0  }
.Ltmp4:
0x1f9: {  	_ = 	snop;
	(pc) =	sbr.rel @p0 .LBB2_1-.Ltmp4, $3  }
0x1fa: {  	_ =	sdelay $0x1  }
0x1fb: {  	[sflag:s1] =	ssyncset.done $0x0  }
0x1fc: {  	[sflag:s1] =	ssyncadd.s32 $0xFFFFE000  }
0x1fd: {  	_ =	sfence.sel $0x180000  }
0x1fe: {  	[bflag:$0x0] =	sbarrier.arrive $0xFFFF  }
0x1ff: {  	_ =	strace $0x90000047  }
0x200: {  	s0 =	stileid.u32;
	[bflag:$0x2] =	sbarrier.arrive $0xFFFF  }
0x201: {  	p0 =	sne.s32 s0, $0x0;
	s0 =	rddreg [dreg:$0x3]  }
0x202: {  	s0 =	sadd.s32 @!p0 $0x100000, s0  }
0x203: {  	[sflag:s0] =	ssyncadd.tile.s32 @!p0 $0x1;
	_ =	shalt  }
.Lfunc_end2:
_tile_overlayer_lowered:
.L_overlay_start_2:
0x204: {  	(tag) =	ssettag $0x2  }
0x205: {  	s0 =	rddreg [dreg:$0x0];
	s2 =	stileid.u32  }
0x206: {  	s1 =	rddreg [dreg:$0x1];
	p0 =	sne.s32 s2, $0x0  }
0x207: {  	s3 =	rddreg [dreg:$0x2];
	[bflag:$0x3] =	sbarrier.arrive $0xFFFF;
	s2 =	simm.s32 @!p0 $0x1C03  }
0x208: {  	[timem:s3], [sflag:s2] =	dma.local @!p0 [hbm:s0], s1  }
0x209: {  	s0 =	simm.s32 @!p0 $0x3  }
0x20a: {  	_ =	swait.ge @!p0 [sflag:s0], s1  }
0x20b: {  	s1 =	ssub.s32 @!p0 $0x0, s1;
	[sflag:s0] =	ssyncset.done @!p0 $0x0  }
0x20c: {  	[sflag:s0] =	ssyncadd.s32 @!p0 s1  }
0x20d: {  	[bflag:$0x3] =	sbarrier.arrive $0xFFFF  }
0x20e: {  	_ =	shalt  }

</sc_bundles>
